<compile_context>
chip_gen: v7x
topology: tpu7x:2x2x1
jax: 0.10.2.dev20260603
libtpu: 0.0.44.dev20260713+nightly
codegen_flags: <defaults>
</compile_context>

<pallas_src>
import jax
import jax.numpy as jnp
from jax import lax
from jax.experimental import pallas as pl
from jax.experimental.pallas import tpu as pltpu
from jax.experimental.pallas import tpu_sc as plsc

B = 8
H = 512
W = 512
HW = H * W
NC = 2
NS = 16
P = HW // NS
ZB = 8192
RB = 512
G = RB * W // 128
BH = B // 2
HHW = BH * HW


def _prep_body(flow_ref, invd_ref, idx_ref, wx_ref, wy_ref, w_ref):
    fx = flow_ref[0, 0].reshape(G, 128)
    fy = flow_ref[0, 1].reshape(G, 128)
    dv = invd_ref[0, 0].reshape(G, 128)
    gi = lax.broadcasted_iota(jnp.int32, (G, 128), 0)
    li = lax.broadcasted_iota(jnp.int32, (G, 128), 1)
    xi = ((gi & 3) << 7) + li
    yi = gi >> 2
    tx = jnp.round(xi.astype(jnp.float32) - fx)
    ty = jnp.round(yi.astype(jnp.float32) - fy)
    inr = (tx >= 0.0) & (tx < float(W)) & (ty >= 0.0) & (ty < float(H))
    tgt = tx.astype(jnp.int32) + ty.astype(jnp.int32) * W
    own = xi + yi * W
    w = jnp.where(inr, dv, 0.0)
    idx_ref[...] = jnp.where(inr, tgt, own)
    wx_ref[...] = fx * w
    wy_ref[...] = fy * w
    w_ref[...] = w


def _make_prep(h):
    return pl.pallas_call(
        _prep_body,
        grid=(BH,),
        in_specs=[
            pl.BlockSpec((1, 2, RB, W), lambda i: (h * BH + i, 0, 0, 0)),
            pl.BlockSpec((1, 1, RB, W), lambda i: (h * BH + i, 0, 0, 0)),
        ],
        out_specs=[pl.BlockSpec((G, 128), lambda i: (i, 0))] * 4,
        out_shape=[
            jax.ShapeDtypeStruct((HHW // 128, 128), jnp.int32),
            jax.ShapeDtypeStruct((HHW // 128, 128), jnp.float32),
            jax.ShapeDtypeStruct((HHW // 128, 128), jnp.float32),
            jax.ShapeDtypeStruct((HHW // 128, 128), jnp.float32),
        ],
    )


def _sc_body(idx_hbm, wx_hbm, wy_hbm, w_hbm, ax_hbm, ay_hbm, aw_hbm,
             idx_v, vx_v, vy_v, vw_v, zb_v, acc_x, acc_y, acc_w, sem):
    c = lax.axis_index("c")
    s = lax.axis_index("s")
    base = s * P

    def _zb(i, carry):
        zb_v[pl.ds(pl.multiple_of(i * 16, 16), 16)] = jnp.zeros((16,), jnp.float32)
        return carry

    lax.fori_loop(0, ZB // 16, _zb, 0, unroll=4)

    for k in range(BH // NC):
        pos = c * (BH // NC) + k
        goff = pos * HW + base
        for acc in (acc_x, acc_y, acc_w):
            pltpu.sync_copy(zb_v, acc.at[pl.ds(base, ZB)])
            pltpu.sync_copy(zb_v, acc.at[pl.ds(base + ZB, ZB)])
        pltpu.sync_copy(idx_hbm.at[pl.ds(goff, P)], idx_v)
        pltpu.sync_copy(wx_hbm.at[pl.ds(goff, P)], vx_v)
        pltpu.sync_copy(wy_hbm.at[pl.ds(goff, P)], vy_v)
        pltpu.sync_copy(w_hbm.at[pl.ds(goff, P)], vw_v)
        plsc.subcore_barrier()

        hx = pltpu.async_copy(vx_v, acc_x.at[idx_v], sem, add=True)
        hy = pltpu.async_copy(vy_v, acc_y.at[idx_v], sem, add=True)
        hw_ = pltpu.async_copy(vw_v, acc_w.at[idx_v], sem, add=True)
        hx.wait()
        hy.wait()
        hw_.wait()
        plsc.subcore_barrier()

        pltpu.sync_copy(acc_x.at[pl.ds(base, P)], ax_hbm.at[pl.ds(goff, P)])
        pltpu.sync_copy(acc_y.at[pl.ds(base, P)], ay_hbm.at[pl.ds(goff, P)])
        pltpu.sync_copy(acc_w.at[pl.ds(base, P)], aw_hbm.at[pl.ds(goff, P)])


def _build_sc_kernel():
    return pl.kernel(
        _sc_body,
        out_type=(
            jax.ShapeDtypeStruct((HHW,), jnp.float32),
            jax.ShapeDtypeStruct((HHW,), jnp.float32),
            jax.ShapeDtypeStruct((HHW,), jnp.float32),
        ),
        mesh=plsc.VectorSubcoreMesh(
            core_axis_name="c", subcore_axis_name="s", num_cores=NC, num_subcores=NS
        ),
        scratch_types=[
            pltpu.VMEM((P,), jnp.int32),
            pltpu.VMEM((P,), jnp.float32),
            pltpu.VMEM((P,), jnp.float32),
            pltpu.VMEM((P,), jnp.float32),
            pltpu.VMEM((ZB,), jnp.float32),
            pltpu.VMEM_SHARED((HW,), jnp.float32),
            pltpu.VMEM_SHARED((HW,), jnp.float32),
            pltpu.VMEM_SHARED((HW,), jnp.float32),
            pltpu.SemaphoreType.DMA,
        ],
    )


def _fin_compute(ax_ref, ay_ref, aw_ref, out_ref):
    ax = ax_ref[...]
    ay = ay_ref[...]
    aw = aw_ref[...]
    inv = jnp.where(ax != 0.0, 1.0 / (aw + 1e-7), 0.0)
    out_ref[0, 0] = (ax * inv).reshape(H, W)
    out_ref[0, 1] = (ay * inv).reshape(H, W)


def _fin_body_first(ax_ref, ay_ref, aw_ref, out_ref):
    _fin_compute(ax_ref, ay_ref, aw_ref, out_ref)


def _fin_body_second(prev_ref, ax_ref, ay_ref, aw_ref, out_ref):
    del prev_ref
    _fin_compute(ax_ref, ay_ref, aw_ref, out_ref)


_ACC_SPEC = pl.BlockSpec((HW // 128, 128), lambda i: (i, 0))

_fin_first = pl.pallas_call(
    _fin_body_first,
    grid=(BH,),
    in_specs=[_ACC_SPEC] * 3,
    out_specs=pl.BlockSpec((1, 2, H, W), lambda i: (i, 0, 0, 0)),
    out_shape=jax.ShapeDtypeStruct((B, 2, H, W), jnp.float32),
)

_fin_second = pl.pallas_call(
    _fin_body_second,
    grid=(BH,),
    in_specs=[pl.BlockSpec(memory_space=pltpu.MemorySpace.HBM)] + [_ACC_SPEC] * 3,
    out_specs=pl.BlockSpec((1, 2, H, W), lambda i: (BH + i, 0, 0, 0)),
    out_shape=jax.ShapeDtypeStruct((B, 2, H, W), jnp.float32),
    input_output_aliases={0: 0},
)


def kernel(flow, inv_depth):
    sc = _build_sc_kernel()
    idx0, wx0, wy0, w0 = _make_prep(0)(flow, inv_depth)
    ax0, ay0, aw0 = sc(
        idx0.reshape(HHW), wx0.reshape(HHW), wy0.reshape(HHW), w0.reshape(HHW)
    )
    idx1, wx1, wy1, w1 = _make_prep(1)(flow, inv_depth)
    ax1, ay1, aw1 = sc(
        idx1.reshape(HHW), wx1.reshape(HHW), wy1.reshape(HHW), w1.reshape(HHW)
    )
    out = _fin_first(
        ax0.reshape(HHW // 128, 128),
        ay0.reshape(HHW // 128, 128),
        aw0.reshape(HHW // 128, 128),
    )
    return _fin_second(
        out,
        ax1.reshape(HHW // 128, 128),
        ay1.reshape(HHW // 128, 128),
        aw1.reshape(HHW // 128, 128),
    )

# --- scband reference (transcript-rebuilt; emitter-appended) ---
"""Pipeline reference for scband-depth-aware-flow-initialization-16260746182799 (READ-ONLY COPY).

The authoritative reference and input builder live on the scoring server;
editing this copy changes nothing except your own understanding.
"""

import jax, jax.numpy as jnp
import numpy as np

B, H, W = 8, 512, 512


def setup_inputs(seed: int = 0) -> dict:
    key = jax.random.key(seed)
    k1, k2 = jax.random.split(key)
    flow = jax.random.normal(k1, (B, 2, H, W), dtype=jnp.float32)
    inv_depth = jax.random.uniform(k2, (B, 1, H, W), dtype=jnp.float32)
    return {"flow": flow, "inv_depth": inv_depth}


def reference(flow, inv_depth):
    # DepthAwareFlowInitialization with backward=True (is_backward branch: mesh_before - flow)
    Bv, _, Hv, Wv = inv_depth.shape
    y_grid, x_grid = jnp.meshgrid(jnp.arange(Hv), jnp.arange(Wv), indexing='ij')
    mesh_before = jnp.stack([x_grid, y_grid], axis=0).astype(flow.dtype)  # [2,H,W]
    mesh_after = jnp.round(mesh_before - flow).astype(jnp.int32)  # [B,2,H,W]
    in_range = ((mesh_after[:, 0] >= 0) & (mesh_after[:, 0] < Wv)
                & (mesh_after[:, 1] >= 0) & (mesh_after[:, 1] < Hv))  # [B,H,W]
    mesh_after = jnp.where(in_range[:, None], mesh_after, 0)
    weights = in_range[:, None].astype(flow.dtype) * inv_depth  # [B,1,H,W]
    weighted_flow = flow * weights  # [B,2,H,W]
    L = Bv * Hv * Wv
    mesh_after_raveled = jnp.reshape(
        mesh_after[:, 0] + mesh_after[:, 1] * Wv
        + jnp.arange(Bv, dtype=jnp.int32)[:, None, None] * (Hv * Wv), (L,))
    weighted_flow_raveled = jnp.reshape(jnp.transpose(weighted_flow, (1, 0, 2, 3)), (2, L))
    weights_raveled = jnp.reshape(weights, (L,))
    # bincount with weights == scatter-add into L bins (SparseCore-friendly)
    flow_x = jnp.zeros((L,), flow.dtype).at[mesh_after_raveled].add(weighted_flow_raveled[0])
    flow_y = jnp.zeros((L,), flow.dtype).at[mesh_after_raveled].add(weighted_flow_raveled[1])
    w_f = jnp.zeros((L,), flow.dtype).at[mesh_after_raveled].add(weights_raveled)
    w_f = w_f[None, :] + 1e-07
    inv_sum_weight = 1.0 / w_f
    flow_est = jnp.stack([flow_x, flow_y], axis=0)
    inv_sum_weight = (flow_est[0] != 0).astype(flow.dtype) * inv_sum_weight
    holes_unfilled = flow_est * inv_sum_weight
    out = jnp.transpose(jnp.reshape(holes_unfilled, (2, Bv, Hv, Wv)), (1, 0, 2, 3))
    return out

if __name__ == "__main__":
    import jax
    _d = setup_inputs()
    print(jax.jit(kernel)(*tuple(_d.values())))

</pallas_src>

<mosaic_0001>
#map = affine_map<(d0, d1) -> (0)>
module attributes {stable_mosaic.version = 14 : i64} {
  func.func @_sc_body(%arg0: i32, %arg1: i32, %arg2: memref<1048576xi32, #tpu.memory_space<hbm>>, %arg3: memref<1048576xf32, #tpu.memory_space<hbm>>, %arg4: memref<1048576xf32, #tpu.memory_space<hbm>>, %arg5: memref<1048576xf32, #tpu.memory_space<hbm>>, %arg6: memref<1048576xf32, #tpu.memory_space<hbm>>, %arg7: memref<1048576xf32, #tpu.memory_space<hbm>>, %arg8: memref<1048576xf32, #tpu.memory_space<hbm>>, %arg9: memref<16384xi32, #tpu.memory_space<vmem>>, %arg10: memref<16384xf32, #tpu.memory_space<vmem>>, %arg11: memref<16384xf32, #tpu.memory_space<vmem>>, %arg12: memref<16384xf32, #tpu.memory_space<vmem>>, %arg13: memref<8192xf32, #tpu.memory_space<vmem>>, %arg14: memref<262144xf32, #tpu.memory_space<vmem_shared>>, %arg15: memref<262144xf32, #tpu.memory_space<vmem_shared>>, %arg16: memref<262144xf32, #tpu.memory_space<vmem_shared>>, %arg17: memref<!tpu.dma_semaphore, #tpu.memory_space<semaphore_mem>>) attributes {dimension_semantics = [#tpu.dimension_semantics<core_parallel>, #tpu.dimension_semantics<subcore_parallel>], iteration_bounds = array<i64: 2, 16>, scalar_prefetch = 0 : i64, scratch_operands = 9 : i64, tpu.core_type = #tpu.core_type<sc_vector_subcore>, window_params = [{transform_indices = #map}, {transform_indices = #map}, {transform_indices = #map}, {transform_indices = #map}, {transform_indices = #map}, {transform_indices = #map}, {transform_indices = #map}]} {
    %mul3A = arith.constant 16384 : i32
    %mul3A_0 = arith.muli %arg1, %mul3A : i32
    %scan3A = arith.constant 0 : i32
    %scan3A_1 = arith.constant 0 : i32
    %scan3A_2 = arith.constant 512 : i32
    %scan3A_3 = arith.addi %scan3A_1, %scan3A_2 : i32
    %scan3A_4 = arith.constant 4 : i32
    scf.for %scan3A_56 = %scan3A_1 to %scan3A_3 step %scan3A_4  : i32 {
      %broadcast_in_dim3A = arith.constant 0.000000e+00 : f32
      %broadcast_in_dim3A_57 = vector.broadcast %broadcast_in_dim3A : f32 to vector<16xf32>
      %mul3A_58 = arith.constant 16 : i32
      %mul3A_59 = arith.muli %scan3A_56, %mul3A_58 : i32
      %multiple_of3A = tpu.assume_multiple %mul3A_59, 16 : i32
      %swap3A = arith.index_cast %multiple_of3A : i32 to index
      %swap3A_60 = tpu.vector_load %arg13[%swap3A] {strides = array<i32>} : memref<8192xf32, #tpu.memory_space<vmem>>, vector<16xf32>,
      %swap3A_61 = vector.shape_cast %swap3A_60 : vector<16xf32> to vector<16xf32>
      %swap3A_62 = vector.shape_cast %broadcast_in_dim3A_57 : vector<16xf32> to vector<16xf32>
      tpu.vector_store %arg13[%swap3A], %swap3A_62 {strides = array<i32>} : memref<8192xf32, #tpu.memory_space<vmem>>, vector<16xf32>,
      %scan3A_63 = arith.constant 1 : i32
      %scan3A_64 = arith.addi %scan3A_56, %scan3A_63 : i32
      %broadcast_in_dim3A_65 = arith.constant 0.000000e+00 : f32
      %broadcast_in_dim3A_66 = vector.broadcast %broadcast_in_dim3A_65 : f32 to vector<16xf32>
      %mul3A_67 = arith.constant 16 : i32
      %mul3A_68 = arith.muli %scan3A_64, %mul3A_67 : i32
      %multiple_of3A_69 = tpu.assume_multiple %mul3A_68, 16 : i32
      %swap3A_70 = arith.index_cast %multiple_of3A_69 : i32 to index
      %swap3A_71 = tpu.vector_load %arg13[%swap3A_70] {strides = array<i32>} : memref<8192xf32, #tpu.memory_space<vmem>>, vector<16xf32>,
      %swap3A_72 = vector.shape_cast %swap3A_71 : vector<16xf32> to vector<16xf32>
      %swap3A_73 = vector.shape_cast %broadcast_in_dim3A_66 : vector<16xf32> to vector<16xf32>
      tpu.vector_store %arg13[%swap3A_70], %swap3A_73 {strides = array<i32>} : memref<8192xf32, #tpu.memory_space<vmem>>, vector<16xf32>,
      %scan3A_74 = arith.constant 2 : i32
      %scan3A_75 = arith.addi %scan3A_56, %scan3A_74 : i32
      %broadcast_in_dim3A_76 = arith.constant 0.000000e+00 : f32
      %broadcast_in_dim3A_77 = vector.broadcast %broadcast_in_dim3A_76 : f32 to vector<16xf32>
      %mul3A_78 = arith.constant 16 : i32
      %mul3A_79 = arith.muli %scan3A_75, %mul3A_78 : i32
      %multiple_of3A_80 = tpu.assume_multiple %mul3A_79, 16 : i32
      %swap3A_81 = arith.index_cast %multiple_of3A_80 : i32 to index
      %swap3A_82 = tpu.vector_load %arg13[%swap3A_81] {strides = array<i32>} : memref<8192xf32, #tpu.memory_space<vmem>>, vector<16xf32>,
      %swap3A_83 = vector.shape_cast %swap3A_82 : vector<16xf32> to vector<16xf32>
      %swap3A_84 = vector.shape_cast %broadcast_in_dim3A_77 : vector<16xf32> to vector<16xf32>
      tpu.vector_store %arg13[%swap3A_81], %swap3A_84 {strides = array<i32>} : memref<8192xf32, #tpu.memory_space<vmem>>, vector<16xf32>,
      %scan3A_85 = arith.constant 3 : i32
      %scan3A_86 = arith.addi %scan3A_56, %scan3A_85 : i32
      %broadcast_in_dim3A_87 = arith.constant 0.000000e+00 : f32
      %broadcast_in_dim3A_88 = vector.broadcast %broadcast_in_dim3A_87 : f32 to vector<16xf32>
      %mul3A_89 = arith.constant 16 : i32
      %mul3A_90 = arith.muli %scan3A_86, %mul3A_89 : i32
      %multiple_of3A_91 = tpu.assume_multiple %mul3A_90, 16 : i32
      %swap3A_92 = arith.index_cast %multiple_of3A_91 : i32 to index
      %swap3A_93 = tpu.vector_load %arg13[%swap3A_92] {strides = array<i32>} : memref<8192xf32, #tpu.memory_space<vmem>>, vector<16xf32>,
      %swap3A_94 = vector.shape_cast %swap3A_93 : vector<16xf32> to vector<16xf32>
      %swap3A_95 = vector.shape_cast %broadcast_in_dim3A_88 : vector<16xf32> to vector<16xf32>
      tpu.vector_store %arg13[%swap3A_92], %swap3A_95 {strides = array<i32>} : memref<8192xf32, #tpu.memory_space<vmem>>, vector<16xf32>,
    }
    %scan3A_5 = arith.constant 512 : i32
    %mul3A_6 = arith.constant 2 : i32
    %mul3A_7 = arith.muli %arg0, %mul3A_6 : i32
    %add3A = arith.constant 0 : i32
    %add3A_8 = arith.addi %mul3A_7, %add3A : i32
    %mul3A_9 = arith.constant 262144 : i32
    %mul3A_10 = arith.muli %add3A_8, %mul3A_9 : i32
    %add3A_11 = arith.addi %mul3A_10, %mul3A_0 : i32
    "tpu.region"() ({
      %run_scoped3A = tpu.sem_alloc : memref<!tpu.dma_semaphore, #tpu.memory_space<semaphore_mem>>
      %dma_start3A_56 = tpu.memref_slice %arg14[%mul3A_0] : memref<262144xf32, #tpu.memory_space<vmem_shared>> -> memref<8192xf32, #tpu.memory_space<vmem_shared>>
      %dma_start3A_57 = tpu.memref_slice %arg14[%mul3A_0] : memref<262144xf32, #tpu.memory_space<vmem_shared>> -> memref<8192xf32, #tpu.memory_space<vmem_shared>>
      tpu.enqueue_dma source(%arg13 : memref<8192xf32, #tpu.memory_space<vmem>>) target(%dma_start3A_57 : memref<8192xf32, #tpu.memory_space<vmem_shared>>) target_semaphore(%run_scoped3A : memref<!tpu.dma_semaphore, #tpu.memory_space<semaphore_mem>>)
      %dma_wait3A_58 = tpu.memref_slice %arg14[%mul3A_0] : memref<262144xf32, #tpu.memory_space<vmem_shared>> -> memref<8192xf32, #tpu.memory_space<vmem_shared>>
      %dma_wait3A_59 = tpu.memref_slice %arg14[%mul3A_0] : memref<262144xf32, #tpu.memory_space<vmem_shared>> -> memref<8192xf32, #tpu.memory_space<vmem_shared>>
      tpu.wait_dma2 semaphore(%run_scoped3A : memref<!tpu.dma_semaphore, #tpu.memory_space<semaphore_mem>>) src(%arg13 : memref<8192xf32, #tpu.memory_space<vmem>>) dst(%dma_wait3A_59 : memref<8192xf32, #tpu.memory_space<vmem_shared>>)
      tpu.yield
    }) : () -> ()
    %add3A_12 = arith.constant 8192 : i32
    %add3A_13 = arith.addi %mul3A_0, %add3A_12 : i32
    "tpu.region"() ({
      %run_scoped3A = tpu.sem_alloc : memref<!tpu.dma_semaphore, #tpu.memory_space<semaphore_mem>>
      %dma_start3A_56 = tpu.memref_slice %arg14[%add3A_13] : memref<262144xf32, #tpu.memory_space<vmem_shared>> -> memref<8192xf32, #tpu.memory_space<vmem_shared>>
      %dma_start3A_57 = tpu.memref_slice %arg14[%add3A_13] : memref<262144xf32, #tpu.memory_space<vmem_shared>> -> memref<8192xf32, #tpu.memory_space<vmem_shared>>
      tpu.enqueue_dma source(%arg13 : memref<8192xf32, #tpu.memory_space<vmem>>) target(%dma_start3A_57 : memref<8192xf32, #tpu.memory_space<vmem_shared>>) target_semaphore(%run_scoped3A : memref<!tpu.dma_semaphore, #tpu.memory_space<semaphore_mem>>)
      %dma_wait3A_58 = tpu.memref_slice %arg14[%add3A_13] : memref<262144xf32, #tpu.memory_space<vmem_shared>> -> memref<8192xf32, #tpu.memory_space<vmem_shared>>
      %dma_wait3A_59 = tpu.memref_slice %arg14[%add3A_13] : memref<262144xf32, #tpu.memory_space<vmem_shared>> -> memref<8192xf32, #tpu.memory_space<vmem_shared>>
      tpu.wait_dma2 semaphore(%run_scoped3A : memref<!tpu.dma_semaphore, #tpu.memory_space<semaphore_mem>>) src(%arg13 : memref<8192xf32, #tpu.memory_space<vmem>>) dst(%dma_wait3A_59 : memref<8192xf32, #tpu.memory_space<vmem_shared>>)
      tpu.yield
    }) : () -> ()
    "tpu.region"() ({
      %run_scoped3A = tpu.sem_alloc : memref<!tpu.dma_semaphore, #tpu.memory_space<semaphore_mem>>
      %dma_start3A_56 = tpu.memref_slice %arg15[%mul3A_0] : memref<262144xf32, #tpu.memory_space<vmem_shared>> -> memref<8192xf32, #tpu.memory_space<vmem_shared>>
      %dma_start3A_57 = tpu.memref_slice %arg15[%mul3A_0] : memref<262144xf32, #tpu.memory_space<vmem_shared>> -> memref<8192xf32, #tpu.memory_space<vmem_shared>>
      tpu.enqueue_dma source(%arg13 : memref<8192xf32, #tpu.memory_space<vmem>>) target(%dma_start3A_57 : memref<8192xf32, #tpu.memory_space<vmem_shared>>) target_semaphore(%run_scoped3A : memref<!tpu.dma_semaphore, #tpu.memory_space<semaphore_mem>>)
      %dma_wait3A_58 = tpu.memref_slice %arg15[%mul3A_0] : memref<262144xf32, #tpu.memory_space<vmem_shared>> -> memref<8192xf32, #tpu.memory_space<vmem_shared>>
      %dma_wait3A_59 = tpu.memref_slice %arg15[%mul3A_0] : memref<262144xf32, #tpu.memory_space<vmem_shared>> -> memref<8192xf32, #tpu.memory_space<vmem_shared>>
      tpu.wait_dma2 semaphore(%run_scoped3A : memref<!tpu.dma_semaphore, #tpu.memory_space<semaphore_mem>>) src(%arg13 : memref<8192xf32, #tpu.memory_space<vmem>>) dst(%dma_wait3A_59 : memref<8192xf32, #tpu.memory_space<vmem_shared>>)
      tpu.yield
    }) : () -> ()
    %add3A_14 = arith.constant 8192 : i32
    %add3A_15 = arith.addi %mul3A_0, %add3A_14 : i32
    "tpu.region"() ({
      %run_scoped3A = tpu.sem_alloc : memref<!tpu.dma_semaphore, #tpu.memory_space<semaphore_mem>>
      %dma_start3A_56 = tpu.memref_slice %arg15[%add3A_15] : memref<262144xf32, #tpu.memory_space<vmem_shared>> -> memref<8192xf32, #tpu.memory_space<vmem_shared>>
      %dma_start3A_57 = tpu.memref_slice %arg15[%add3A_15] : memref<262144xf32, #tpu.memory_space<vmem_shared>> -> memref<8192xf32, #tpu.memory_space<vmem_shared>>
      tpu.enqueue_dma source(%arg13 : memref<8192xf32, #tpu.memory_space<vmem>>) target(%dma_start3A_57 : memref<8192xf32, #tpu.memory_space<vmem_shared>>) target_semaphore(%run_scoped3A : memref<!tpu.dma_semaphore, #tpu.memory_space<semaphore_mem>>)
      %dma_wait3A_58 = tpu.memref_slice %arg15[%add3A_15] : memref<262144xf32, #tpu.memory_space<vmem_shared>> -> memref<8192xf32, #tpu.memory_space<vmem_shared>>
      %dma_wait3A_59 = tpu.memref_slice %arg15[%add3A_15] : memref<262144xf32, #tpu.memory_space<vmem_shared>> -> memref<8192xf32, #tpu.memory_space<vmem_shared>>
      tpu.wait_dma2 semaphore(%run_scoped3A : memref<!tpu.dma_semaphore, #tpu.memory_space<semaphore_mem>>) src(%arg13 : memref<8192xf32, #tpu.memory_space<vmem>>) dst(%dma_wait3A_59 : memref<8192xf32, #tpu.memory_space<vmem_shared>>)
      tpu.yield
    }) : () -> ()
    "tpu.region"() ({
      %run_scoped3A = tpu.sem_alloc : memref<!tpu.dma_semaphore, #tpu.memory_space<semaphore_mem>>
      %dma_start3A_56 = tpu.memref_slice %arg16[%mul3A_0] : memref<262144xf32, #tpu.memory_space<vmem_shared>> -> memref<8192xf32, #tpu.memory_space<vmem_shared>>
      %dma_start3A_57 = tpu.memref_slice %arg16[%mul3A_0] : memref<262144xf32, #tpu.memory_space<vmem_shared>> -> memref<8192xf32, #tpu.memory_space<vmem_shared>>
      tpu.enqueue_dma source(%arg13 : memref<8192xf32, #tpu.memory_space<vmem>>) target(%dma_start3A_57 : memref<8192xf32, #tpu.memory_space<vmem_shared>>) target_semaphore(%run_scoped3A : memref<!tpu.dma_semaphore, #tpu.memory_space<semaphore_mem>>)
      %dma_wait3A_58 = tpu.memref_slice %arg16[%mul3A_0] : memref<262144xf32, #tpu.memory_space<vmem_shared>> -> memref<8192xf32, #tpu.memory_space<vmem_shared>>
      %dma_wait3A_59 = tpu.memref_slice %arg16[%mul3A_0] : memref<262144xf32, #tpu.memory_space<vmem_shared>> -> memref<8192xf32, #tpu.memory_space<vmem_shared>>
      tpu.wait_dma2 semaphore(%run_scoped3A : memref<!tpu.dma_semaphore, #tpu.memory_space<semaphore_mem>>) src(%arg13 : memref<8192xf32, #tpu.memory_space<vmem>>) dst(%dma_wait3A_59 : memref<8192xf32, #tpu.memory_space<vmem_shared>>)
      tpu.yield
    }) : () -> ()
    %add3A_16 = arith.constant 8192 : i32
    %add3A_17 = arith.addi %mul3A_0, %add3A_16 : i32
    "tpu.region"() ({
      %run_scoped3A = tpu.sem_alloc : memref<!tpu.dma_semaphore, #tpu.memory_space<semaphore_mem>>
      %dma_start3A_56 = tpu.memref_slice %arg16[%add3A_17] : memref<262144xf32, #tpu.memory_space<vmem_shared>> -> memref<8192xf32, #tpu.memory_space<vmem_shared>>
      %dma_start3A_57 = tpu.memref_slice %arg16[%add3A_17] : memref<262144xf32, #tpu.memory_space<vmem_shared>> -> memref<8192xf32, #tpu.memory_space<vmem_shared>>
      tpu.enqueue_dma source(%arg13 : memref<8192xf32, #tpu.memory_space<vmem>>) target(%dma_start3A_57 : memref<8192xf32, #tpu.memory_space<vmem_shared>>) target_semaphore(%run_scoped3A : memref<!tpu.dma_semaphore, #tpu.memory_space<semaphore_mem>>)
      %dma_wait3A_58 = tpu.memref_slice %arg16[%add3A_17] : memref<262144xf32, #tpu.memory_space<vmem_shared>> -> memref<8192xf32, #tpu.memory_space<vmem_shared>>
      %dma_wait3A_59 = tpu.memref_slice %arg16[%add3A_17] : memref<262144xf32, #tpu.memory_space<vmem_shared>> -> memref<8192xf32, #tpu.memory_space<vmem_shared>>
      tpu.wait_dma2 semaphore(%run_scoped3A : memref<!tpu.dma_semaphore, #tpu.memory_space<semaphore_mem>>) src(%arg13 : memref<8192xf32, #tpu.memory_space<vmem>>) dst(%dma_wait3A_59 : memref<8192xf32, #tpu.memory_space<vmem_shared>>)
      tpu.yield
    }) : () -> ()
    "tpu.region"() ({
      %run_scoped3A = tpu.sem_alloc : memref<!tpu.dma_semaphore, #tpu.memory_space<semaphore_mem>>
      %dma_start3A_56 = tpu.memref_slice %arg2[%add3A_11] : memref<1048576xi32, #tpu.memory_space<hbm>> -> memref<16384xi32, #tpu.memory_space<hbm>>
      %dma_start3A_57 = tpu.memref_slice %arg2[%add3A_11] : memref<1048576xi32, #tpu.memory_space<hbm>> -> memref<16384xi32, #tpu.memory_space<hbm>>
      tpu.enqueue_dma source(%dma_start3A_57 : memref<16384xi32, #tpu.memory_space<hbm>>) target(%arg9 : memref<16384xi32, #tpu.memory_space<vmem>>) target_semaphore(%run_scoped3A : memref<!tpu.dma_semaphore, #tpu.memory_space<semaphore_mem>>)
      %dma_wait3A_58 = tpu.memref_slice %arg2[%add3A_11] : memref<1048576xi32, #tpu.memory_space<hbm>> -> memref<16384xi32, #tpu.memory_space<hbm>>
      %dma_wait3A_59 = tpu.memref_slice %arg2[%add3A_11] : memref<1048576xi32, #tpu.memory_space<hbm>> -> memref<16384xi32, #tpu.memory_space<hbm>>
      tpu.wait_dma2 semaphore(%run_scoped3A : memref<!tpu.dma_semaphore, #tpu.memory_space<semaphore_mem>>) src(%dma_wait3A_59 : memref<16384xi32, #tpu.memory_space<hbm>>) dst(%arg9 : memref<16384xi32, #tpu.memory_space<vmem>>)
      tpu.yield
    }) : () -> ()
    "tpu.region"() ({
      %run_scoped3A = tpu.sem_alloc : memref<!tpu.dma_semaphore, #tpu.memory_space<semaphore_mem>>
      %dma_start3A_56 = tpu.memref_slice %arg3[%add3A_11] : memref<1048576xf32, #tpu.memory_space<hbm>> -> memref<16384xf32, #tpu.memory_space<hbm>>
      %dma_start3A_57 = tpu.memref_slice %arg3[%add3A_11] : memref<1048576xf32, #tpu.memory_space<hbm>> -> memref<16384xf32, #tpu.memory_space<hbm>>
      tpu.enqueue_dma source(%dma_start3A_57 : memref<16384xf32, #tpu.memory_space<hbm>>) target(%arg10 : memref<16384xf32, #tpu.memory_space<vmem>>) target_semaphore(%run_scoped3A : memref<!tpu.dma_semaphore, #tpu.memory_space<semaphore_mem>>)
      %dma_wait3A_58 = tpu.memref_slice %arg3[%add3A_11] : memref<1048576xf32, #tpu.memory_space<hbm>> -> memref<16384xf32, #tpu.memory_space<hbm>>
      %dma_wait3A_59 = tpu.memref_slice %arg3[%add3A_11] : memref<1048576xf32, #tpu.memory_space<hbm>> -> memref<16384xf32, #tpu.memory_space<hbm>>
      tpu.wait_dma2 semaphore(%run_scoped3A : memref<!tpu.dma_semaphore, #tpu.memory_space<semaphore_mem>>) src(%dma_wait3A_59 : memref<16384xf32, #tpu.memory_space<hbm>>) dst(%arg10 : memref<16384xf32, #tpu.memory_space<vmem>>)
      tpu.yield
    }) : () -> ()
    "tpu.region"() ({
      %run_scoped3A = tpu.sem_alloc : memref<!tpu.dma_semaphore, #tpu.memory_space<semaphore_mem>>
      %dma_start3A_56 = tpu.memref_slice %arg4[%add3A_11] : memref<1048576xf32, #tpu.memory_space<hbm>> -> memref<16384xf32, #tpu.memory_space<hbm>>
      %dma_start3A_57 = tpu.memref_slice %arg4[%add3A_11] : memref<1048576xf32, #tpu.memory_space<hbm>> -> memref<16384xf32, #tpu.memory_space<hbm>>
      tpu.enqueue_dma source(%dma_start3A_57 : memref<16384xf32, #tpu.memory_space<hbm>>) target(%arg11 : memref<16384xf32, #tpu.memory_space<vmem>>) target_semaphore(%run_scoped3A : memref<!tpu.dma_semaphore, #tpu.memory_space<semaphore_mem>>)
      %dma_wait3A_58 = tpu.memref_slice %arg4[%add3A_11] : memref<1048576xf32, #tpu.memory_space<hbm>> -> memref<16384xf32, #tpu.memory_space<hbm>>
      %dma_wait3A_59 = tpu.memref_slice %arg4[%add3A_11] : memref<1048576xf32, #tpu.memory_space<hbm>> -> memref<16384xf32, #tpu.memory_space<hbm>>
      tpu.wait_dma2 semaphore(%run_scoped3A : memref<!tpu.dma_semaphore, #tpu.memory_space<semaphore_mem>>) src(%dma_wait3A_59 : memref<16384xf32, #tpu.memory_space<hbm>>) dst(%arg11 : memref<16384xf32, #tpu.memory_space<vmem>>)
      tpu.yield
    }) : () -> ()
    "tpu.region"() ({
      %run_scoped3A = tpu.sem_alloc : memref<!tpu.dma_semaphore, #tpu.memory_space<semaphore_mem>>
      %dma_start3A_56 = tpu.memref_slice %arg5[%add3A_11] : memref<1048576xf32, #tpu.memory_space<hbm>> -> memref<16384xf32, #tpu.memory_space<hbm>>
      %dma_start3A_57 = tpu.memref_slice %arg5[%add3A_11] : memref<1048576xf32, #tpu.memory_space<hbm>> -> memref<16384xf32, #tpu.memory_space<hbm>>
      tpu.enqueue_dma source(%dma_start3A_57 : memref<16384xf32, #tpu.memory_space<hbm>>) target(%arg12 : memref<16384xf32, #tpu.memory_space<vmem>>) target_semaphore(%run_scoped3A : memref<!tpu.dma_semaphore, #tpu.memory_space<semaphore_mem>>)
      %dma_wait3A_58 = tpu.memref_slice %arg5[%add3A_11] : memref<1048576xf32, #tpu.memory_space<hbm>> -> memref<16384xf32, #tpu.memory_space<hbm>>
      %dma_wait3A_59 = tpu.memref_slice %arg5[%add3A_11] : memref<1048576xf32, #tpu.memory_space<hbm>> -> memref<16384xf32, #tpu.memory_space<hbm>>
      tpu.wait_dma2 semaphore(%run_scoped3A : memref<!tpu.dma_semaphore, #tpu.memory_space<semaphore_mem>>) src(%dma_wait3A_59 : memref<16384xf32, #tpu.memory_space<hbm>>) dst(%arg12 : memref<16384xf32, #tpu.memory_space<vmem>>)
      tpu.yield
    }) : () -> ()
    %barrier3A = arith.constant 0 : index
    tpu.barrier barrier_id(%barrier3A)
    %dma_start3A = arith.constant 0 : i32
    %dma_start3A_18 = tpu.memref_slice %arg14[%dma_start3A] : memref<262144xf32, #tpu.memory_space<vmem_shared>> -> memref<262144xf32, #tpu.memory_space<vmem_shared>>
    tpu.enqueue_indirect_dma source(%arg10 : memref<16384xf32, #tpu.memory_space<vmem>>) target(%dma_start3A_18 : memref<262144xf32, #tpu.memory_space<vmem_shared>>) offsets(%arg9 : memref<16384xi32, #tpu.memory_space<vmem>>) semaphore(%arg17 : memref<!tpu.dma_semaphore, #tpu.memory_space<semaphore_mem>>) {add = true}
    %dma_start3A_19 = arith.constant 0 : i32
    %dma_start3A_20 = tpu.memref_slice %arg15[%dma_start3A_19] : memref<262144xf32, #tpu.memory_space<vmem_shared>> -> memref<262144xf32, #tpu.memory_space<vmem_shared>>
    tpu.enqueue_indirect_dma source(%arg11 : memref<16384xf32, #tpu.memory_space<vmem>>) target(%dma_start3A_20 : memref<262144xf32, #tpu.memory_space<vmem_shared>>) offsets(%arg9 : memref<16384xi32, #tpu.memory_space<vmem>>) semaphore(%arg17 : memref<!tpu.dma_semaphore, #tpu.memory_space<semaphore_mem>>) {add = true}
    %dma_start3A_21 = arith.constant 0 : i32
    %dma_start3A_22 = tpu.memref_slice %arg16[%dma_start3A_21] : memref<262144xf32, #tpu.memory_space<vmem_shared>> -> memref<262144xf32, #tpu.memory_space<vmem_shared>>
    tpu.enqueue_indirect_dma source(%arg12 : memref<16384xf32, #tpu.memory_space<vmem>>) target(%dma_start3A_22 : memref<262144xf32, #tpu.memory_space<vmem_shared>>) offsets(%arg9 : memref<16384xi32, #tpu.memory_space<vmem>>) semaphore(%arg17 : memref<!tpu.dma_semaphore, #tpu.memory_space<semaphore_mem>>) {add = true}
    %dma_wait3A = arith.constant 0 : i32
    %dma_wait3A_23 = tpu.memref_slice %arg14[%dma_wait3A] : memref<262144xf32, #tpu.memory_space<vmem_shared>> -> memref<262144xf32, #tpu.memory_space<vmem_shared>>
    tpu.wait_indirect_dma semaphore(%arg17 : memref<!tpu.dma_semaphore, #tpu.memory_space<semaphore_mem>>) src(%arg10 : memref<16384xf32, #tpu.memory_space<vmem>>) dst(%dma_wait3A_23 : memref<262144xf32, #tpu.memory_space<vmem_shared>>)
    %dma_wait3A_24 = arith.constant 0 : i32
    %dma_wait3A_25 = tpu.memref_slice %arg15[%dma_wait3A_24] : memref<262144xf32, #tpu.memory_space<vmem_shared>> -> memref<262144xf32, #tpu.memory_space<vmem_shared>>
    tpu.wait_indirect_dma semaphore(%arg17 : memref<!tpu.dma_semaphore, #tpu.memory_space<semaphore_mem>>) src(%arg11 : memref<16384xf32, #tpu.memory_space<vmem>>) dst(%dma_wait3A_25 : memref<262144xf32, #tpu.memory_space<vmem_shared>>)
    %dma_wait3A_26 = arith.constant 0 : i32
    %dma_wait3A_27 = tpu.memref_slice %arg16[%dma_wait3A_26] : memref<262144xf32, #tpu.memory_space<vmem_shared>> -> memref<262144xf32, #tpu.memory_space<vmem_shared>>
    tpu.wait_indirect_dma semaphore(%arg17 : memref<!tpu.dma_semaphore, #tpu.memory_space<semaphore_mem>>) src(%arg12 : memref<16384xf32, #tpu.memory_space<vmem>>) dst(%dma_wait3A_27 : memref<262144xf32, #tpu.memory_space<vmem_shared>>)
    %barrier3A_28 = arith.constant 0 : index
    tpu.barrier barrier_id(%barrier3A_28)
    "tpu.region"() ({
      %run_scoped3A = tpu.sem_alloc : memref<!tpu.dma_semaphore, #tpu.memory_space<semaphore_mem>>
      %dma_start3A_56 = tpu.memref_slice %arg6[%add3A_11] : memref<1048576xf32, #tpu.memory_space<hbm>> -> memref<16384xf32, #tpu.memory_space<hbm>>
      %dma_start3A_57 = tpu.memref_slice %arg14[%mul3A_0] : memref<262144xf32, #tpu.memory_space<vmem_shared>> -> memref<16384xf32, #tpu.memory_space<vmem_shared>>
      tpu.enqueue_dma source(%dma_start3A_57 : memref<16384xf32, #tpu.memory_space<vmem_shared>>) target(%dma_start3A_56 : memref<16384xf32, #tpu.memory_space<hbm>>) target_semaphore(%run_scoped3A : memref<!tpu.dma_semaphore, #tpu.memory_space<semaphore_mem>>)
      %dma_wait3A_58 = tpu.memref_slice %arg6[%add3A_11] : memref<1048576xf32, #tpu.memory_space<hbm>> -> memref<16384xf32, #tpu.memory_space<hbm>>
      %dma_wait3A_59 = tpu.memref_slice %arg14[%mul3A_0] : memref<262144xf32, #tpu.memory_space<vmem_shared>> -> memref<16384xf32, #tpu.memory_space<vmem_shared>>
      tpu.wait_dma2 semaphore(%run_scoped3A : memref<!tpu.dma_semaphore, #tpu.memory_space<semaphore_mem>>) src(%dma_wait3A_59 : memref<16384xf32, #tpu.memory_space<vmem_shared>>) dst(%dma_wait3A_58 : memref<16384xf32, #tpu.memory_space<hbm>>)
      tpu.yield
    }) : () -> ()
    "tpu.region"() ({
      %run_scoped3A = tpu.sem_alloc : memref<!tpu.dma_semaphore, #tpu.memory_space<semaphore_mem>>
      %dma_start3A_56 = tpu.memref_slice %arg7[%add3A_11] : memref<1048576xf32, #tpu.memory_space<hbm>> -> memref<16384xf32, #tpu.memory_space<hbm>>
      %dma_start3A_57 = tpu.memref_slice %arg15[%mul3A_0] : memref<262144xf32, #tpu.memory_space<vmem_shared>> -> memref<16384xf32, #tpu.memory_space<vmem_shared>>
      tpu.enqueue_dma source(%dma_start3A_57 : memref<16384xf32, #tpu.memory_space<vmem_shared>>) target(%dma_start3A_56 : memref<16384xf32, #tpu.memory_space<hbm>>) target_semaphore(%run_scoped3A : memref<!tpu.dma_semaphore, #tpu.memory_space<semaphore_mem>>)
      %dma_wait3A_58 = tpu.memref_slice %arg7[%add3A_11] : memref<1048576xf32, #tpu.memory_space<hbm>> -> memref<16384xf32, #tpu.memory_space<hbm>>
      %dma_wait3A_59 = tpu.memref_slice %arg15[%mul3A_0] : memref<262144xf32, #tpu.memory_space<vmem_shared>> -> memref<16384xf32, #tpu.memory_space<vmem_shared>>
      tpu.wait_dma2 semaphore(%run_scoped3A : memref<!tpu.dma_semaphore, #tpu.memory_space<semaphore_mem>>) src(%dma_wait3A_59 : memref<16384xf32, #tpu.memory_space<vmem_shared>>) dst(%dma_wait3A_58 : memref<16384xf32, #tpu.memory_space<hbm>>)
      tpu.yield
    }) : () -> ()
    "tpu.region"() ({
      %run_scoped3A = tpu.sem_alloc : memref<!tpu.dma_semaphore, #tpu.memory_space<semaphore_mem>>
      %dma_start3A_56 = tpu.memref_slice %arg8[%add3A_11] : memref<1048576xf32, #tpu.memory_space<hbm>> -> memref<16384xf32, #tpu.memory_space<hbm>>
      %dma_start3A_57 = tpu.memref_slice %arg16[%mul3A_0] : memref<262144xf32, #tpu.memory_space<vmem_shared>> -> memref<16384xf32, #tpu.memory_space<vmem_shared>>
      tpu.enqueue_dma source(%dma_start3A_57 : memref<16384xf32, #tpu.memory_space<vmem_shared>>) target(%dma_start3A_56 : memref<16384xf32, #tpu.memory_space<hbm>>) target_semaphore(%run_scoped3A : memref<!tpu.dma_semaphore, #tpu.memory_space<semaphore_mem>>)
      %dma_wait3A_58 = tpu.memref_slice %arg8[%add3A_11] : memref<1048576xf32, #tpu.memory_space<hbm>> -> memref<16384xf32, #tpu.memory_space<hbm>>
      %dma_wait3A_59 = tpu.memref_slice %arg16[%mul3A_0] : memref<262144xf32, #tpu.memory_space<vmem_shared>> -> memref<16384xf32, #tpu.memory_space<vmem_shared>>
      tpu.wait_dma2 semaphore(%run_scoped3A : memref<!tpu.dma_semaphore, #tpu.memory_space<semaphore_mem>>) src(%dma_wait3A_59 : memref<16384xf32, #tpu.memory_space<vmem_shared>>) dst(%dma_wait3A_58 : memref<16384xf32, #tpu.memory_space<hbm>>)
      tpu.yield
    }) : () -> ()
    %mul3A_29 = arith.constant 2 : i32
    %mul3A_30 = arith.muli %arg0, %mul3A_29 : i32
    %add3A_31 = arith.constant 1 : i32
    %add3A_32 = arith.addi %mul3A_30, %add3A_31 : i32
    %mul3A_33 = arith.constant 262144 : i32
    %mul3A_34 = arith.muli %add3A_32, %mul3A_33 : i32
    %add3A_35 = arith.addi %mul3A_34, %mul3A_0 : i32
    "tpu.region"() ({
      %run_scoped3A = tpu.sem_alloc : memref<!tpu.dma_semaphore, #tpu.memory_space<semaphore_mem>>
      %dma_start3A_56 = tpu.memref_slice %arg14[%mul3A_0] : memref<262144xf32, #tpu.memory_space<vmem_shared>> -> memref<8192xf32, #tpu.memory_space<vmem_shared>>
      %dma_start3A_57 = tpu.memref_slice %arg14[%mul3A_0] : memref<262144xf32, #tpu.memory_space<vmem_shared>> -> memref<8192xf32, #tpu.memory_space<vmem_shared>>
      tpu.enqueue_dma source(%arg13 : memref<8192xf32, #tpu.memory_space<vmem>>) target(%dma_start3A_57 : memref<8192xf32, #tpu.memory_space<vmem_shared>>) target_semaphore(%run_scoped3A : memref<!tpu.dma_semaphore, #tpu.memory_space<semaphore_mem>>)
      %dma_wait3A_58 = tpu.memref_slice %arg14[%mul3A_0] : memref<262144xf32, #tpu.memory_space<vmem_shared>> -> memref<8192xf32, #tpu.memory_space<vmem_shared>>
      %dma_wait3A_59 = tpu.memref_slice %arg14[%mul3A_0] : memref<262144xf32, #tpu.memory_space<vmem_shared>> -> memref<8192xf32, #tpu.memory_space<vmem_shared>>
      tpu.wait_dma2 semaphore(%run_scoped3A : memref<!tpu.dma_semaphore, #tpu.memory_space<semaphore_mem>>) src(%arg13 : memref<8192xf32, #tpu.memory_space<vmem>>) dst(%dma_wait3A_59 : memref<8192xf32, #tpu.memory_space<vmem_shared>>)
      tpu.yield
    }) : () -> ()
    %add3A_36 = arith.constant 8192 : i32
    %add3A_37 = arith.addi %mul3A_0, %add3A_36 : i32
    "tpu.region"() ({
      %run_scoped3A = tpu.sem_alloc : memref<!tpu.dma_semaphore, #tpu.memory_space<semaphore_mem>>
      %dma_start3A_56 = tpu.memref_slice %arg14[%add3A_37] : memref<262144xf32, #tpu.memory_space<vmem_shared>> -> memref<8192xf32, #tpu.memory_space<vmem_shared>>
      %dma_start3A_57 = tpu.memref_slice %arg14[%add3A_37] : memref<262144xf32, #tpu.memory_space<vmem_shared>> -> memref<8192xf32, #tpu.memory_space<vmem_shared>>
      tpu.enqueue_dma source(%arg13 : memref<8192xf32, #tpu.memory_space<vmem>>) target(%dma_start3A_57 : memref<8192xf32, #tpu.memory_space<vmem_shared>>) target_semaphore(%run_scoped3A : memref<!tpu.dma_semaphore, #tpu.memory_space<semaphore_mem>>)
      %dma_wait3A_58 = tpu.memref_slice %arg14[%add3A_37] : memref<262144xf32, #tpu.memory_space<vmem_shared>> -> memref<8192xf32, #tpu.memory_space<vmem_shared>>
      %dma_wait3A_59 = tpu.memref_slice %arg14[%add3A_37] : memref<262144xf32, #tpu.memory_space<vmem_shared>> -> memref<8192xf32, #tpu.memory_space<vmem_shared>>
      tpu.wait_dma2 semaphore(%run_scoped3A : memref<!tpu.dma_semaphore, #tpu.memory_space<semaphore_mem>>) src(%arg13 : memref<8192xf32, #tpu.memory_space<vmem>>) dst(%dma_wait3A_59 : memref<8192xf32, #tpu.memory_space<vmem_shared>>)
      tpu.yield
    }) : () -> ()
    "tpu.region"() ({
      %run_scoped3A = tpu.sem_alloc : memref<!tpu.dma_semaphore, #tpu.memory_space<semaphore_mem>>
      %dma_start3A_56 = tpu.memref_slice %arg15[%mul3A_0] : memref<262144xf32, #tpu.memory_space<vmem_shared>> -> memref<8192xf32, #tpu.memory_space<vmem_shared>>
      %dma_start3A_57 = tpu.memref_slice %arg15[%mul3A_0] : memref<262144xf32, #tpu.memory_space<vmem_shared>> -> memref<8192xf32, #tpu.memory_space<vmem_shared>>
      tpu.enqueue_dma source(%arg13 : memref<8192xf32, #tpu.memory_space<vmem>>) target(%dma_start3A_57 : memref<8192xf32, #tpu.memory_space<vmem_shared>>) target_semaphore(%run_scoped3A : memref<!tpu.dma_semaphore, #tpu.memory_space<semaphore_mem>>)
      %dma_wait3A_58 = tpu.memref_slice %arg15[%mul3A_0] : memref<262144xf32, #tpu.memory_space<vmem_shared>> -> memref<8192xf32, #tpu.memory_space<vmem_shared>>
      %dma_wait3A_59 = tpu.memref_slice %arg15[%mul3A_0] : memref<262144xf32, #tpu.memory_space<vmem_shared>> -> memref<8192xf32, #tpu.memory_space<vmem_shared>>
      tpu.wait_dma2 semaphore(%run_scoped3A : memref<!tpu.dma_semaphore, #tpu.memory_space<semaphore_mem>>) src(%arg13 : memref<8192xf32, #tpu.memory_space<vmem>>) dst(%dma_wait3A_59 : memref<8192xf32, #tpu.memory_space<vmem_shared>>)
      tpu.yield
    }) : () -> ()
    %add3A_38 = arith.constant 8192 : i32
    %add3A_39 = arith.addi %mul3A_0, %add3A_38 : i32
    "tpu.region"() ({
      %run_scoped3A = tpu.sem_alloc : memref<!tpu.dma_semaphore, #tpu.memory_space<semaphore_mem>>
      %dma_start3A_56 = tpu.memref_slice %arg15[%add3A_39] : memref<262144xf32, #tpu.memory_space<vmem_shared>> -> memref<8192xf32, #tpu.memory_space<vmem_shared>>
      %dma_start3A_57 = tpu.memref_slice %arg15[%add3A_39] : memref<262144xf32, #tpu.memory_space<vmem_shared>> -> memref<8192xf32, #tpu.memory_space<vmem_shared>>
      tpu.enqueue_dma source(%arg13 : memref<8192xf32, #tpu.memory_space<vmem>>) target(%dma_start3A_57 : memref<8192xf32, #tpu.memory_space<vmem_shared>>) target_semaphore(%run_scoped3A : memref<!tpu.dma_semaphore, #tpu.memory_space<semaphore_mem>>)
      %dma_wait3A_58 = tpu.memref_slice %arg15[%add3A_39] : memref<262144xf32, #tpu.memory_space<vmem_shared>> -> memref<8192xf32, #tpu.memory_space<vmem_shared>>
      %dma_wait3A_59 = tpu.memref_slice %arg15[%add3A_39] : memref<262144xf32, #tpu.memory_space<vmem_shared>> -> memref<8192xf32, #tpu.memory_space<vmem_shared>>
      tpu.wait_dma2 semaphore(%run_scoped3A : memref<!tpu.dma_semaphore, #tpu.memory_space<semaphore_mem>>) src(%arg13 : memref<8192xf32, #tpu.memory_space<vmem>>) dst(%dma_wait3A_59 : memref<8192xf32, #tpu.memory_space<vmem_shared>>)
      tpu.yield
    }) : () -> ()
    "tpu.region"() ({
      %run_scoped3A = tpu.sem_alloc : memref<!tpu.dma_semaphore, #tpu.memory_space<semaphore_mem>>
      %dma_start3A_56 = tpu.memref_slice %arg16[%mul3A_0] : memref<262144xf32, #tpu.memory_space<vmem_shared>> -> memref<8192xf32, #tpu.memory_space<vmem_shared>>
      %dma_start3A_57 = tpu.memref_slice %arg16[%mul3A_0] : memref<262144xf32, #tpu.memory_space<vmem_shared>> -> memref<8192xf32, #tpu.memory_space<vmem_shared>>
      tpu.enqueue_dma source(%arg13 : memref<8192xf32, #tpu.memory_space<vmem>>) target(%dma_start3A_57 : memref<8192xf32, #tpu.memory_space<vmem_shared>>) target_semaphore(%run_scoped3A : memref<!tpu.dma_semaphore, #tpu.memory_space<semaphore_mem>>)
      %dma_wait3A_58 = tpu.memref_slice %arg16[%mul3A_0] : memref<262144xf32, #tpu.memory_space<vmem_shared>> -> memref<8192xf32, #tpu.memory_space<vmem_shared>>
      %dma_wait3A_59 = tpu.memref_slice %arg16[%mul3A_0] : memref<262144xf32, #tpu.memory_space<vmem_shared>> -> memref<8192xf32, #tpu.memory_space<vmem_shared>>
      tpu.wait_dma2 semaphore(%run_scoped3A : memref<!tpu.dma_semaphore, #tpu.memory_space<semaphore_mem>>) src(%arg13 : memref<8192xf32, #tpu.memory_space<vmem>>) dst(%dma_wait3A_59 : memref<8192xf32, #tpu.memory_space<vmem_shared>>)
      tpu.yield
    }) : () -> ()
    %add3A_40 = arith.constant 8192 : i32
    %add3A_41 = arith.addi %mul3A_0, %add3A_40 : i32
    "tpu.region"() ({
      %run_scoped3A = tpu.sem_alloc : memref<!tpu.dma_semaphore, #tpu.memory_space<semaphore_mem>>
      %dma_start3A_56 = tpu.memref_slice %arg16[%add3A_41] : memref<262144xf32, #tpu.memory_space<vmem_shared>> -> memref<8192xf32, #tpu.memory_space<vmem_shared>>
      %dma_start3A_57 = tpu.memref_slice %arg16[%add3A_41] : memref<262144xf32, #tpu.memory_space<vmem_shared>> -> memref<8192xf32, #tpu.memory_space<vmem_shared>>
      tpu.enqueue_dma source(%arg13 : memref<8192xf32, #tpu.memory_space<vmem>>) target(%dma_start3A_57 : memref<8192xf32, #tpu.memory_space<vmem_shared>>) target_semaphore(%run_scoped3A : memref<!tpu.dma_semaphore, #tpu.memory_space<semaphore_mem>>)
      %dma_wait3A_58 = tpu.memref_slice %arg16[%add3A_41] : memref<262144xf32, #tpu.memory_space<vmem_shared>> -> memref<8192xf32, #tpu.memory_space<vmem_shared>>
      %dma_wait3A_59 = tpu.memref_slice %arg16[%add3A_41] : memref<262144xf32, #tpu.memory_space<vmem_shared>> -> memref<8192xf32, #tpu.memory_space<vmem_shared>>
      tpu.wait_dma2 semaphore(%run_scoped3A : memref<!tpu.dma_semaphore, #tpu.memory_space<semaphore_mem>>) src(%arg13 : memref<8192xf32, #tpu.memory_space<vmem>>) dst(%dma_wait3A_59 : memref<8192xf32, #tpu.memory_space<vmem_shared>>)
      tpu.yield
    }) : () -> ()
    "tpu.region"() ({
      %run_scoped3A = tpu.sem_alloc : memref<!tpu.dma_semaphore, #tpu.memory_space<semaphore_mem>>
      %dma_start3A_56 = tpu.memref_slice %arg2[%add3A_35] : memref<1048576xi32, #tpu.memory_space<hbm>> -> memref<16384xi32, #tpu.memory_space<hbm>>
      %dma_start3A_57 = tpu.memref_slice %arg2[%add3A_35] : memref<1048576xi32, #tpu.memory_space<hbm>> -> memref<16384xi32, #tpu.memory_space<hbm>>
      tpu.enqueue_dma source(%dma_start3A_57 : memref<16384xi32, #tpu.memory_space<hbm>>) target(%arg9 : memref<16384xi32, #tpu.memory_space<vmem>>) target_semaphore(%run_scoped3A : memref<!tpu.dma_semaphore, #tpu.memory_space<semaphore_mem>>)
      %dma_wait3A_58 = tpu.memref_slice %arg2[%add3A_35] : memref<1048576xi32, #tpu.memory_space<hbm>> -> memref<16384xi32, #tpu.memory_space<hbm>>
      %dma_wait3A_59 = tpu.memref_slice %arg2[%add3A_35] : memref<1048576xi32, #tpu.memory_space<hbm>> -> memref<16384xi32, #tpu.memory_space<hbm>>
      tpu.wait_dma2 semaphore(%run_scoped3A : memref<!tpu.dma_semaphore, #tpu.memory_space<semaphore_mem>>) src(%dma_wait3A_59 : memref<16384xi32, #tpu.memory_space<hbm>>) dst(%arg9 : memref<16384xi32, #tpu.memory_space<vmem>>)
      tpu.yield
    }) : () -> ()
    "tpu.region"() ({
      %run_scoped3A = tpu.sem_alloc : memref<!tpu.dma_semaphore, #tpu.memory_space<semaphore_mem>>
      %dma_start3A_56 = tpu.memref_slice %arg3[%add3A_35] : memref<1048576xf32, #tpu.memory_space<hbm>> -> memref<16384xf32, #tpu.memory_space<hbm>>
      %dma_start3A_57 = tpu.memref_slice %arg3[%add3A_35] : memref<1048576xf32, #tpu.memory_space<hbm>> -> memref<16384xf32, #tpu.memory_space<hbm>>
      tpu.enqueue_dma source(%dma_start3A_57 : memref<16384xf32, #tpu.memory_space<hbm>>) target(%arg10 : memref<16384xf32, #tpu.memory_space<vmem>>) target_semaphore(%run_scoped3A : memref<!tpu.dma_semaphore, #tpu.memory_space<semaphore_mem>>)
      %dma_wait3A_58 = tpu.memref_slice %arg3[%add3A_35] : memref<1048576xf32, #tpu.memory_space<hbm>> -> memref<16384xf32, #tpu.memory_space<hbm>>
      %dma_wait3A_59 = tpu.memref_slice %arg3[%add3A_35] : memref<1048576xf32, #tpu.memory_space<hbm>> -> memref<16384xf32, #tpu.memory_space<hbm>>
      tpu.wait_dma2 semaphore(%run_scoped3A : memref<!tpu.dma_semaphore, #tpu.memory_space<semaphore_mem>>) src(%dma_wait3A_59 : memref<16384xf32, #tpu.memory_space<hbm>>) dst(%arg10 : memref<16384xf32, #tpu.memory_space<vmem>>)
      tpu.yield
    }) : () -> ()
    "tpu.region"() ({
      %run_scoped3A = tpu.sem_alloc : memref<!tpu.dma_semaphore, #tpu.memory_space<semaphore_mem>>
      %dma_start3A_56 = tpu.memref_slice %arg4[%add3A_35] : memref<1048576xf32, #tpu.memory_space<hbm>> -> memref<16384xf32, #tpu.memory_space<hbm>>
      %dma_start3A_57 = tpu.memref_slice %arg4[%add3A_35] : memref<1048576xf32, #tpu.memory_space<hbm>> -> memref<16384xf32, #tpu.memory_space<hbm>>
      tpu.enqueue_dma source(%dma_start3A_57 : memref<16384xf32, #tpu.memory_space<hbm>>) target(%arg11 : memref<16384xf32, #tpu.memory_space<vmem>>) target_semaphore(%run_scoped3A : memref<!tpu.dma_semaphore, #tpu.memory_space<semaphore_mem>>)
      %dma_wait3A_58 = tpu.memref_slice %arg4[%add3A_35] : memref<1048576xf32, #tpu.memory_space<hbm>> -> memref<16384xf32, #tpu.memory_space<hbm>>
      %dma_wait3A_59 = tpu.memref_slice %arg4[%add3A_35] : memref<1048576xf32, #tpu.memory_space<hbm>> -> memref<16384xf32, #tpu.memory_space<hbm>>
      tpu.wait_dma2 semaphore(%run_scoped3A : memref<!tpu.dma_semaphore, #tpu.memory_space<semaphore_mem>>) src(%dma_wait3A_59 : memref<16384xf32, #tpu.memory_space<hbm>>) dst(%arg11 : memref<16384xf32, #tpu.memory_space<vmem>>)
      tpu.yield
    }) : () -> ()
    "tpu.region"() ({
      %run_scoped3A = tpu.sem_alloc : memref<!tpu.dma_semaphore, #tpu.memory_space<semaphore_mem>>
      %dma_start3A_56 = tpu.memref_slice %arg5[%add3A_35] : memref<1048576xf32, #tpu.memory_space<hbm>> -> memref<16384xf32, #tpu.memory_space<hbm>>
      %dma_start3A_57 = tpu.memref_slice %arg5[%add3A_35] : memref<1048576xf32, #tpu.memory_space<hbm>> -> memref<16384xf32, #tpu.memory_space<hbm>>
      tpu.enqueue_dma source(%dma_start3A_57 : memref<16384xf32, #tpu.memory_space<hbm>>) target(%arg12 : memref<16384xf32, #tpu.memory_space<vmem>>) target_semaphore(%run_scoped3A : memref<!tpu.dma_semaphore, #tpu.memory_space<semaphore_mem>>)
      %dma_wait3A_58 = tpu.memref_slice %arg5[%add3A_35] : memref<1048576xf32, #tpu.memory_space<hbm>> -> memref<16384xf32, #tpu.memory_space<hbm>>
      %dma_wait3A_59 = tpu.memref_slice %arg5[%add3A_35] : memref<1048576xf32, #tpu.memory_space<hbm>> -> memref<16384xf32, #tpu.memory_space<hbm>>
      tpu.wait_dma2 semaphore(%run_scoped3A : memref<!tpu.dma_semaphore, #tpu.memory_space<semaphore_mem>>) src(%dma_wait3A_59 : memref<16384xf32, #tpu.memory_space<hbm>>) dst(%arg12 : memref<16384xf32, #tpu.memory_space<vmem>>)
      tpu.yield
    }) : () -> ()
    %barrier3A_42 = arith.constant 0 : index
    tpu.barrier barrier_id(%barrier3A_42)
    %dma_start3A_43 = arith.constant 0 : i32
    %dma_start3A_44 = tpu.memref_slice %arg14[%dma_start3A_43] : memref<262144xf32, #tpu.memory_space<vmem_shared>> -> memref<262144xf32, #tpu.memory_space<vmem_shared>>
    tpu.enqueue_indirect_dma source(%arg10 : memref<16384xf32, #tpu.memory_space<vmem>>) target(%dma_start3A_44 : memref<262144xf32, #tpu.memory_space<vmem_shared>>) offsets(%arg9 : memref<16384xi32, #tpu.memory_space<vmem>>) semaphore(%arg17 : memref<!tpu.dma_semaphore, #tpu.memory_space<semaphore_mem>>) {add = true}
    %dma_start3A_45 = arith.constant 0 : i32
    %dma_start3A_46 = tpu.memref_slice %arg15[%dma_start3A_45] : memref<262144xf32, #tpu.memory_space<vmem_shared>> -> memref<262144xf32, #tpu.memory_space<vmem_shared>>
    tpu.enqueue_indirect_dma source(%arg11 : memref<16384xf32, #tpu.memory_space<vmem>>) target(%dma_start3A_46 : memref<262144xf32, #tpu.memory_space<vmem_shared>>) offsets(%arg9 : memref<16384xi32, #tpu.memory_space<vmem>>) semaphore(%arg17 : memref<!tpu.dma_semaphore, #tpu.memory_space<semaphore_mem>>) {add = true}
    %dma_start3A_47 = arith.constant 0 : i32
    %dma_start3A_48 = tpu.memref_slice %arg16[%dma_start3A_47] : memref<262144xf32, #tpu.memory_space<vmem_shared>> -> memref<262144xf32, #tpu.memory_space<vmem_shared>>
    tpu.enqueue_indirect_dma source(%arg12 : memref<16384xf32, #tpu.memory_space<vmem>>) target(%dma_start3A_48 : memref<262144xf32, #tpu.memory_space<vmem_shared>>) offsets(%arg9 : memref<16384xi32, #tpu.memory_space<vmem>>) semaphore(%arg17 : memref<!tpu.dma_semaphore, #tpu.memory_space<semaphore_mem>>) {add = true}
    %dma_wait3A_49 = arith.constant 0 : i32
    %dma_wait3A_50 = tpu.memref_slice %arg14[%dma_wait3A_49] : memref<262144xf32, #tpu.memory_space<vmem_shared>> -> memref<262144xf32, #tpu.memory_space<vmem_shared>>
    tpu.wait_indirect_dma semaphore(%arg17 : memref<!tpu.dma_semaphore, #tpu.memory_space<semaphore_mem>>) src(%arg10 : memref<16384xf32, #tpu.memory_space<vmem>>) dst(%dma_wait3A_50 : memref<262144xf32, #tpu.memory_space<vmem_shared>>)
    %dma_wait3A_51 = arith.constant 0 : i32
    %dma_wait3A_52 = tpu.memref_slice %arg15[%dma_wait3A_51] : memref<262144xf32, #tpu.memory_space<vmem_shared>> -> memref<262144xf32, #tpu.memory_space<vmem_shared>>
    tpu.wait_indirect_dma semaphore(%arg17 : memref<!tpu.dma_semaphore, #tpu.memory_space<semaphore_mem>>) src(%arg11 : memref<16384xf32, #tpu.memory_space<vmem>>) dst(%dma_wait3A_52 : memref<262144xf32, #tpu.memory_space<vmem_shared>>)
    %dma_wait3A_53 = arith.constant 0 : i32
    %dma_wait3A_54 = tpu.memref_slice %arg16[%dma_wait3A_53] : memref<262144xf32, #tpu.memory_space<vmem_shared>> -> memref<262144xf32, #tpu.memory_space<vmem_shared>>
    tpu.wait_indirect_dma semaphore(%arg17 : memref<!tpu.dma_semaphore, #tpu.memory_space<semaphore_mem>>) src(%arg12 : memref<16384xf32, #tpu.memory_space<vmem>>) dst(%dma_wait3A_54 : memref<262144xf32, #tpu.memory_space<vmem_shared>>)
    %barrier3A_55 = arith.constant 0 : index
    tpu.barrier barrier_id(%barrier3A_55)
    "tpu.region"() ({
      %run_scoped3A = tpu.sem_alloc : memref<!tpu.dma_semaphore, #tpu.memory_space<semaphore_mem>>
      %dma_start3A_56 = tpu.memref_slice %arg6[%add3A_35] : memref<1048576xf32, #tpu.memory_space<hbm>> -> memref<16384xf32, #tpu.memory_space<hbm>>
      %dma_start3A_57 = tpu.memref_slice %arg14[%mul3A_0] : memref<262144xf32, #tpu.memory_space<vmem_shared>> -> memref<16384xf32, #tpu.memory_space<vmem_shared>>
      tpu.enqueue_dma source(%dma_start3A_57 : memref<16384xf32, #tpu.memory_space<vmem_shared>>) target(%dma_start3A_56 : memref<16384xf32, #tpu.memory_space<hbm>>) target_semaphore(%run_scoped3A : memref<!tpu.dma_semaphore, #tpu.memory_space<semaphore_mem>>)
      %dma_wait3A_58 = tpu.memref_slice %arg6[%add3A_35] : memref<1048576xf32, #tpu.memory_space<hbm>> -> memref<16384xf32, #tpu.memory_space<hbm>>
      %dma_wait3A_59 = tpu.memref_slice %arg14[%mul3A_0] : memref<262144xf32, #tpu.memory_space<vmem_shared>> -> memref<16384xf32, #tpu.memory_space<vmem_shared>>
      tpu.wait_dma2 semaphore(%run_scoped3A : memref<!tpu.dma_semaphore, #tpu.memory_space<semaphore_mem>>) src(%dma_wait3A_59 : memref<16384xf32, #tpu.memory_space<vmem_shared>>) dst(%dma_wait3A_58 : memref<16384xf32, #tpu.memory_space<hbm>>)
      tpu.yield
    }) : () -> ()
    "tpu.region"() ({
      %run_scoped3A = tpu.sem_alloc : memref<!tpu.dma_semaphore, #tpu.memory_space<semaphore_mem>>
      %dma_start3A_56 = tpu.memref_slice %arg7[%add3A_35] : memref<1048576xf32, #tpu.memory_space<hbm>> -> memref<16384xf32, #tpu.memory_space<hbm>>
      %dma_start3A_57 = tpu.memref_slice %arg15[%mul3A_0] : memref<262144xf32, #tpu.memory_space<vmem_shared>> -> memref<16384xf32, #tpu.memory_space<vmem_shared>>
      tpu.enqueue_dma source(%dma_start3A_57 : memref<16384xf32, #tpu.memory_space<vmem_shared>>) target(%dma_start3A_56 : memref<16384xf32, #tpu.memory_space<hbm>>) target_semaphore(%run_scoped3A : memref<!tpu.dma_semaphore, #tpu.memory_space<semaphore_mem>>)
      %dma_wait3A_58 = tpu.memref_slice %arg7[%add3A_35] : memref<1048576xf32, #tpu.memory_space<hbm>> -> memref<16384xf32, #tpu.memory_space<hbm>>
      %dma_wait3A_59 = tpu.memref_slice %arg15[%mul3A_0] : memref<262144xf32, #tpu.memory_space<vmem_shared>> -> memref<16384xf32, #tpu.memory_space<vmem_shared>>
      tpu.wait_dma2 semaphore(%run_scoped3A : memref<!tpu.dma_semaphore, #tpu.memory_space<semaphore_mem>>) src(%dma_wait3A_59 : memref<16384xf32, #tpu.memory_space<vmem_shared>>) dst(%dma_wait3A_58 : memref<16384xf32, #tpu.memory_space<hbm>>)
      tpu.yield
    }) : () -> ()
    "tpu.region"() ({
      %run_scoped3A = tpu.sem_alloc : memref<!tpu.dma_semaphore, #tpu.memory_space<semaphore_mem>>
      %dma_start3A_56 = tpu.memref_slice %arg8[%add3A_35] : memref<1048576xf32, #tpu.memory_space<hbm>> -> memref<16384xf32, #tpu.memory_space<hbm>>
      %dma_start3A_57 = tpu.memref_slice %arg16[%mul3A_0] : memref<262144xf32, #tpu.memory_space<vmem_shared>> -> memref<16384xf32, #tpu.memory_space<vmem_shared>>
      tpu.enqueue_dma source(%dma_start3A_57 : memref<16384xf32, #tpu.memory_space<vmem_shared>>) target(%dma_start3A_56 : memref<16384xf32, #tpu.memory_space<hbm>>) target_semaphore(%run_scoped3A : memref<!tpu.dma_semaphore, #tpu.memory_space<semaphore_mem>>)
      %dma_wait3A_58 = tpu.memref_slice %arg8[%add3A_35] : memref<1048576xf32, #tpu.memory_space<hbm>> -> memref<16384xf32, #tpu.memory_space<hbm>>
      %dma_wait3A_59 = tpu.memref_slice %arg16[%mul3A_0] : memref<262144xf32, #tpu.memory_space<vmem_shared>> -> memref<16384xf32, #tpu.memory_space<vmem_shared>>
      tpu.wait_dma2 semaphore(%run_scoped3A : memref<!tpu.dma_semaphore, #tpu.memory_space<semaphore_mem>>) src(%dma_wait3A_59 : memref<16384xf32, #tpu.memory_space<vmem_shared>>) dst(%dma_wait3A_58 : memref<16384xf32, #tpu.memory_space<hbm>>)
      tpu.yield
    }) : () -> ()
    return
  }
}

#map = affine_map<(d0, d1) -> (0)>
module attributes {stable_mosaic.version = 14 : i64} {
  func.func @_sc_body(%arg0: i32, %arg1: i32, %arg2: memref<1048576xi32, #tpu.memory_space<hbm>>, %arg3: memref<1048576xf32, #tpu.memory_space<hbm>>, %arg4: memref<1048576xf32, #tpu.memory_space<hbm>>, %arg5: memref<1048576xf32, #tpu.memory_space<hbm>>, %arg6: memref<1048576xf32, #tpu.memory_space<hbm>>, %arg7: memref<1048576xf32, #tpu.memory_space<hbm>>, %arg8: memref<1048576xf32, #tpu.memory_space<hbm>>, %arg9: memref<16384xi32, #tpu.memory_space<vmem>>, %arg10: memref<16384xf32, #tpu.memory_space<vmem>>, %arg11: memref<16384xf32, #tpu.memory_space<vmem>>, %arg12: memref<16384xf32, #tpu.memory_space<vmem>>, %arg13: memref<8192xf32, #tpu.memory_space<vmem>>, %arg14: memref<262144xf32, #tpu.memory_space<vmem_shared>>, %arg15: memref<262144xf32, #tpu.memory_space<vmem_shared>>, %arg16: memref<262144xf32, #tpu.memory_space<vmem_shared>>, %arg17: memref<!tpu.dma_semaphore, #tpu.memory_space<semaphore_mem>>) attributes {dimension_semantics = [#tpu.dimension_semantics<core_parallel>, #tpu.dimension_semantics<subcore_parallel>], iteration_bounds = array<i64: 2, 16>, scalar_prefetch = 0 : i64, scratch_operands = 9 : i64, tpu.core_type = #tpu.core_type<sc_vector_subcore>, window_params = [{transform_indices = #map}, {transform_indices = #map}, {transform_indices = #map}, {transform_indices = #map}, {transform_indices = #map}, {transform_indices = #map}, {transform_indices = #map}]} {
    %mul3A = arith.constant 16384 : i32
    %mul3A_0 = arith.muli %arg1, %mul3A : i32
    %scan3A = arith.constant 0 : i32
    %scan3A_1 = arith.constant 0 : i32
    %scan3A_2 = arith.constant 512 : i32
    %scan3A_3 = arith.addi %scan3A_1, %scan3A_2 : i32
    %scan3A_4 = arith.constant 4 : i32
    scf.for %scan3A_56 = %scan3A_1 to %scan3A_3 step %scan3A_4  : i32 {
      %broadcast_in_dim3A = arith.constant 0.000000e+00 : f32
      %broadcast_in_dim3A_57 = vector.broadcast %broadcast_in_dim3A : f32 to vector<16xf32>
      %mul3A_58 = arith.constant 16 : i32
      %mul3A_59 = arith.muli %scan3A_56, %mul3A_58 : i32
      %multiple_of3A = tpu.assume_multiple %mul3A_59, 16 : i32
      %swap3A = arith.index_cast %multiple_of3A : i32 to index
      %swap3A_60 = tpu.vector_load %arg13[%swap3A] {strides = array<i32>} : memref<8192xf32, #tpu.memory_space<vmem>>, vector<16xf32>,
      %swap3A_61 = vector.shape_cast %swap3A_60 : vector<16xf32> to vector<16xf32>
      %swap3A_62 = vector.shape_cast %broadcast_in_dim3A_57 : vector<16xf32> to vector<16xf32>
      tpu.vector_store %arg13[%swap3A], %swap3A_62 {strides = array<i32>} : memref<8192xf32, #tpu.memory_space<vmem>>, vector<16xf32>,
      %scan3A_63 = arith.constant 1 : i32
      %scan3A_64 = arith.addi %scan3A_56, %scan3A_63 : i32
      %broadcast_in_dim3A_65 = arith.constant 0.000000e+00 : f32
      %broadcast_in_dim3A_66 = vector.broadcast %broadcast_in_dim3A_65 : f32 to vector<16xf32>
      %mul3A_67 = arith.constant 16 : i32
      %mul3A_68 = arith.muli %scan3A_64, %mul3A_67 : i32
      %multiple_of3A_69 = tpu.assume_multiple %mul3A_68, 16 : i32
      %swap3A_70 = arith.index_cast %multiple_of3A_69 : i32 to index
      %swap3A_71 = tpu.vector_load %arg13[%swap3A_70] {strides = array<i32>} : memref<8192xf32, #tpu.memory_space<vmem>>, vector<16xf32>,
      %swap3A_72 = vector.shape_cast %swap3A_71 : vector<16xf32> to vector<16xf32>
      %swap3A_73 = vector.shape_cast %broadcast_in_dim3A_66 : vector<16xf32> to vector<16xf32>
      tpu.vector_store %arg13[%swap3A_70], %swap3A_73 {strides = array<i32>} : memref<8192xf32, #tpu.memory_space<vmem>>, vector<16xf32>,
      %scan3A_74 = arith.constant 2 : i32
      %scan3A_75 = arith.addi %scan3A_56, %scan3A_74 : i32
      %broadcast_in_dim3A_76 = arith.constant 0.000000e+00 : f32
      %broadcast_in_dim3A_77 = vector.broadcast %broadcast_in_dim3A_76 : f32 to vector<16xf32>
      %mul3A_78 = arith.constant 16 : i32
      %mul3A_79 = arith.muli %scan3A_75, %mul3A_78 : i32
      %multiple_of3A_80 = tpu.assume_multiple %mul3A_79, 16 : i32
      %swap3A_81 = arith.index_cast %multiple_of3A_80 : i32 to index
      %swap3A_82 = tpu.vector_load %arg13[%swap3A_81] {strides = array<i32>} : memref<8192xf32, #tpu.memory_space<vmem>>, vector<16xf32>,
      %swap3A_83 = vector.shape_cast %swap3A_82 : vector<16xf32> to vector<16xf32>
      %swap3A_84 = vector.shape_cast %broadcast_in_dim3A_77 : vector<16xf32> to vector<16xf32>
      tpu.vector_store %arg13[%swap3A_81], %swap3A_84 {strides = array<i32>} : memref<8192xf32, #tpu.memory_space<vmem>>, vector<16xf32>,
      %scan3A_85 = arith.constant 3 : i32
      %scan3A_86 = arith.addi %scan3A_56, %scan3A_85 : i32
      %broadcast_in_dim3A_87 = arith.constant 0.000000e+00 : f32
      %broadcast_in_dim3A_88 = vector.broadcast %broadcast_in_dim3A_87 : f32 to vector<16xf32>
      %mul3A_89 = arith.constant 16 : i32
      %mul3A_90 = arith.muli %scan3A_86, %mul3A_89 : i32
      %multiple_of3A_91 = tpu.assume_multiple %mul3A_90, 16 : i32
      %swap3A_92 = arith.index_cast %multiple_of3A_91 : i32 to index
      %swap3A_93 = tpu.vector_load %arg13[%swap3A_92] {strides = array<i32>} : memref<8192xf32, #tpu.memory_space<vmem>>, vector<16xf32>,
      %swap3A_94 = vector.shape_cast %swap3A_93 : vector<16xf32> to vector<16xf32>
      %swap3A_95 = vector.shape_cast %broadcast_in_dim3A_88 : vector<16xf32> to vector<16xf32>
      tpu.vector_store %arg13[%swap3A_92], %swap3A_95 {strides = array<i32>} : memref<8192xf32, #tpu.memory_space<vmem>>, vector<16xf32>,
    }
    %scan3A_5 = arith.constant 512 : i32
    %mul3A_6 = arith.constant 2 : i32
    %mul3A_7 = arith.muli %arg0, %mul3A_6 : i32
    %add3A = arith.constant 0 : i32
    %add3A_8 = arith.addi %mul3A_7, %add3A : i32
    %mul3A_9 = arith.constant 262144 : i32
    %mul3A_10 = arith.muli %add3A_8, %mul3A_9 : i32
    %add3A_11 = arith.addi %mul3A_10, %mul3A_0 : i32
    "tpu.region"() ({
      %run_scoped3A = tpu.sem_alloc : memref<!tpu.dma_semaphore, #tpu.memory_space<semaphore_mem>>
      %dma_start3A_56 = tpu.memref_slice %arg14[%mul3A_0] : memref<262144xf32, #tpu.memory_space<vmem_shared>> -> memref<8192xf32, #tpu.memory_space<vmem_shared>>
      %dma_start3A_57 = tpu.memref_slice %arg14[%mul3A_0] : memref<262144xf32, #tpu.memory_space<vmem_shared>> -> memref<8192xf32, #tpu.memory_space<vmem_shared>>
      tpu.enqueue_dma source(%arg13 : memref<8192xf32, #tpu.memory_space<vmem>>) target(%dma_start3A_57 : memref<8192xf32, #tpu.memory_space<vmem_shared>>) target_semaphore(%run_scoped3A : memref<!tpu.dma_semaphore, #tpu.memory_space<semaphore_mem>>)
      %dma_wait3A_58 = tpu.memref_slice %arg14[%mul3A_0] : memref<262144xf32, #tpu.memory_space<vmem_shared>> -> memref<8192xf32, #tpu.memory_space<vmem_shared>>
      %dma_wait3A_59 = tpu.memref_slice %arg14[%mul3A_0] : memref<262144xf32, #tpu.memory_space<vmem_shared>> -> memref<8192xf32, #tpu.memory_space<vmem_shared>>
      tpu.wait_dma2 semaphore(%run_scoped3A : memref<!tpu.dma_semaphore, #tpu.memory_space<semaphore_mem>>) src(%arg13 : memref<8192xf32, #tpu.memory_space<vmem>>) dst(%dma_wait3A_59 : memref<8192xf32, #tpu.memory_space<vmem_shared>>)
      tpu.yield
    }) : () -> ()
    %add3A_12 = arith.constant 8192 : i32
    %add3A_13 = arith.addi %mul3A_0, %add3A_12 : i32
    "tpu.region"() ({
      %run_scoped3A = tpu.sem_alloc : memref<!tpu.dma_semaphore, #tpu.memory_space<semaphore_mem>>
      %dma_start3A_56 = tpu.memref_slice %arg14[%add3A_13] : memref<262144xf32, #tpu.memory_space<vmem_shared>> -> memref<8192xf32, #tpu.memory_space<vmem_shared>>
      %dma_start3A_57 = tpu.memref_slice %arg14[%add3A_13] : memref<262144xf32, #tpu.memory_space<vmem_shared>> -> memref<8192xf32, #tpu.memory_space<vmem_shared>>
      tpu.enqueue_dma source(%arg13 : memref<8192xf32, #tpu.memory_space<vmem>>) target(%dma_start3A_57 : memref<8192xf32, #tpu.memory_space<vmem_shared>>) target_semaphore(%run_scoped3A : memref<!tpu.dma_semaphore, #tpu.memory_space<semaphore_mem>>)
      %dma_wait3A_58 = tpu.memref_slice %arg14[%add3A_13] : memref<262144xf32, #tpu.memory_space<vmem_shared>> -> memref<8192xf32, #tpu.memory_space<vmem_shared>>
      %dma_wait3A_59 = tpu.memref_slice %arg14[%add3A_13] : memref<262144xf32, #tpu.memory_space<vmem_shared>> -> memref<8192xf32, #tpu.memory_space<vmem_shared>>
      tpu.wait_dma2 semaphore(%run_scoped3A : memref<!tpu.dma_semaphore, #tpu.memory_space<semaphore_mem>>) src(%arg13 : memref<8192xf32, #tpu.memory_space<vmem>>) dst(%dma_wait3A_59 : memref<8192xf32, #tpu.memory_space<vmem_shared>>)
      tpu.yield
    }) : () -> ()
    "tpu.region"() ({
      %run_scoped3A = tpu.sem_alloc : memref<!tpu.dma_semaphore, #tpu.memory_space<semaphore_mem>>
      %dma_start3A_56 = tpu.memref_slice %arg15[%mul3A_0] : memref<262144xf32, #tpu.memory_space<vmem_shared>> -> memref<8192xf32, #tpu.memory_space<vmem_shared>>
      %dma_start3A_57 = tpu.memref_slice %arg15[%mul3A_0] : memref<262144xf32, #tpu.memory_space<vmem_shared>> -> memref<8192xf32, #tpu.memory_space<vmem_shared>>
      tpu.enqueue_dma source(%arg13 : memref<8192xf32, #tpu.memory_space<vmem>>) target(%dma_start3A_57 : memref<8192xf32, #tpu.memory_space<vmem_shared>>) target_semaphore(%run_scoped3A : memref<!tpu.dma_semaphore, #tpu.memory_space<semaphore_mem>>)
      %dma_wait3A_58 = tpu.memref_slice %arg15[%mul3A_0] : memref<262144xf32, #tpu.memory_space<vmem_shared>> -> memref<8192xf32, #tpu.memory_space<vmem_shared>>
      %dma_wait3A_59 = tpu.memref_slice %arg15[%mul3A_0] : memref<262144xf32, #tpu.memory_space<vmem_shared>> -> memref<8192xf32, #tpu.memory_space<vmem_shared>>
      tpu.wait_dma2 semaphore(%run_scoped3A : memref<!tpu.dma_semaphore, #tpu.memory_space<semaphore_mem>>) src(%arg13 : memref<8192xf32, #tpu.memory_space<vmem>>) dst(%dma_wait3A_59 : memref<8192xf32, #tpu.memory_space<vmem_shared>>)
      tpu.yield
    }) : () -> ()
    %add3A_14 = arith.constant 8192 : i32
    %add3A_15 = arith.addi %mul3A_0, %add3A_14 : i32
    "tpu.region"() ({
      %run_scoped3A = tpu.sem_alloc : memref<!tpu.dma_semaphore, #tpu.memory_space<semaphore_mem>>
      %dma_start3A_56 = tpu.memref_slice %arg15[%add3A_15] : memref<262144xf32, #tpu.memory_space<vmem_shared>> -> memref<8192xf32, #tpu.memory_space<vmem_shared>>
      %dma_start3A_57 = tpu.memref_slice %arg15[%add3A_15] : memref<262144xf32, #tpu.memory_space<vmem_shared>> -> memref<8192xf32, #tpu.memory_space<vmem_shared>>
      tpu.enqueue_dma source(%arg13 : memref<8192xf32, #tpu.memory_space<vmem>>) target(%dma_start3A_57 : memref<8192xf32, #tpu.memory_space<vmem_shared>>) target_semaphore(%run_scoped3A : memref<!tpu.dma_semaphore, #tpu.memory_space<semaphore_mem>>)
      %dma_wait3A_58 = tpu.memref_slice %arg15[%add3A_15] : memref<262144xf32, #tpu.memory_space<vmem_shared>> -> memref<8192xf32, #tpu.memory_space<vmem_shared>>
      %dma_wait3A_59 = tpu.memref_slice %arg15[%add3A_15] : memref<262144xf32, #tpu.memory_space<vmem_shared>> -> memref<8192xf32, #tpu.memory_space<vmem_shared>>
      tpu.wait_dma2 semaphore(%run_scoped3A : memref<!tpu.dma_semaphore, #tpu.memory_space<semaphore_mem>>) src(%arg13 : memref<8192xf32, #tpu.memory_space<vmem>>) dst(%dma_wait3A_59 : memref<8192xf32, #tpu.memory_space<vmem_shared>>)
      tpu.yield
    }) : () -> ()
    "tpu.region"() ({
      %run_scoped3A = tpu.sem_alloc : memref<!tpu.dma_semaphore, #tpu.memory_space<semaphore_mem>>
      %dma_start3A_56 = tpu.memref_slice %arg16[%mul3A_0] : memref<262144xf32, #tpu.memory_space<vmem_shared>> -> memref<8192xf32, #tpu.memory_space<vmem_shared>>
      %dma_start3A_57 = tpu.memref_slice %arg16[%mul3A_0] : memref<262144xf32, #tpu.memory_space<vmem_shared>> -> memref<8192xf32, #tpu.memory_space<vmem_shared>>
      tpu.enqueue_dma source(%arg13 : memref<8192xf32, #tpu.memory_space<vmem>>) target(%dma_start3A_57 : memref<8192xf32, #tpu.memory_space<vmem_shared>>) target_semaphore(%run_scoped3A : memref<!tpu.dma_semaphore, #tpu.memory_space<semaphore_mem>>)
      %dma_wait3A_58 = tpu.memref_slice %arg16[%mul3A_0] : memref<262144xf32, #tpu.memory_space<vmem_shared>> -> memref<8192xf32, #tpu.memory_space<vmem_shared>>
      %dma_wait3A_59 = tpu.memref_slice %arg16[%mul3A_0] : memref<262144xf32, #tpu.memory_space<vmem_shared>> -> memref<8192xf32, #tpu.memory_space<vmem_shared>>
      tpu.wait_dma2 semaphore(%run_scoped3A : memref<!tpu.dma_semaphore, #tpu.memory_space<semaphore_mem>>) src(%arg13 : memref<8192xf32, #tpu.memory_space<vmem>>) dst(%dma_wait3A_59 : memref<8192xf32, #tpu.memory_space<vmem_shared>>)
      tpu.yield
    }) : () -> ()
    %add3A_16 = arith.constant 8192 : i32
    %add3A_17 = arith.addi %mul3A_0, %add3A_16 : i32
    "tpu.region"() ({
      %run_scoped3A = tpu.sem_alloc : memref<!tpu.dma_semaphore, #tpu.memory_space<semaphore_mem>>
      %dma_start3A_56 = tpu.memref_slice %arg16[%add3A_17] : memref<262144xf32, #tpu.memory_space<vmem_shared>> -> memref<8192xf32, #tpu.memory_space<vmem_shared>>
      %dma_start3A_57 = tpu.memref_slice %arg16[%add3A_17] : memref<262144xf32, #tpu.memory_space<vmem_shared>> -> memref<8192xf32, #tpu.memory_space<vmem_shared>>
      tpu.enqueue_dma source(%arg13 : memref<8192xf32, #tpu.memory_space<vmem>>) target(%dma_start3A_57 : memref<8192xf32, #tpu.memory_space<vmem_shared>>) target_semaphore(%run_scoped3A : memref<!tpu.dma_semaphore, #tpu.memory_space<semaphore_mem>>)
      %dma_wait3A_58 = tpu.memref_slice %arg16[%add3A_17] : memref<262144xf32, #tpu.memory_space<vmem_shared>> -> memref<8192xf32, #tpu.memory_space<vmem_shared>>
      %dma_wait3A_59 = tpu.memref_slice %arg16[%add3A_17] : memref<262144xf32, #tpu.memory_space<vmem_shared>> -> memref<8192xf32, #tpu.memory_space<vmem_shared>>
      tpu.wait_dma2 semaphore(%run_scoped3A : memref<!tpu.dma_semaphore, #tpu.memory_space<semaphore_mem>>) src(%arg13 : memref<8192xf32, #tpu.memory_space<vmem>>) dst(%dma_wait3A_59 : memref<8192xf32, #tpu.memory_space<vmem_shared>>)
      tpu.yield
    }) : () -> ()
    "tpu.region"() ({
      %run_scoped3A = tpu.sem_alloc : memref<!tpu.dma_semaphore, #tpu.memory_space<semaphore_mem>>
      %dma_start3A_56 = tpu.memref_slice %arg2[%add3A_11] : memref<1048576xi32, #tpu.memory_space<hbm>> -> memref<16384xi32, #tpu.memory_space<hbm>>
      %dma_start3A_57 = tpu.memref_slice %arg2[%add3A_11] : memref<1048576xi32, #tpu.memory_space<hbm>> -> memref<16384xi32, #tpu.memory_space<hbm>>
      tpu.enqueue_dma source(%dma_start3A_57 : memref<16384xi32, #tpu.memory_space<hbm>>) target(%arg9 : memref<16384xi32, #tpu.memory_space<vmem>>) target_semaphore(%run_scoped3A : memref<!tpu.dma_semaphore, #tpu.memory_space<semaphore_mem>>)
      %dma_wait3A_58 = tpu.memref_slice %arg2[%add3A_11] : memref<1048576xi32, #tpu.memory_space<hbm>> -> memref<16384xi32, #tpu.memory_space<hbm>>
      %dma_wait3A_59 = tpu.memref_slice %arg2[%add3A_11] : memref<1048576xi32, #tpu.memory_space<hbm>> -> memref<16384xi32, #tpu.memory_space<hbm>>
      tpu.wait_dma2 semaphore(%run_scoped3A : memref<!tpu.dma_semaphore, #tpu.memory_space<semaphore_mem>>) src(%dma_wait3A_59 : memref<16384xi32, #tpu.memory_space<hbm>>) dst(%arg9 : memref<16384xi32, #tpu.memory_space<vmem>>)
      tpu.yield
    }) : () -> ()
    "tpu.region"() ({
      %run_scoped3A = tpu.sem_alloc : memref<!tpu.dma_semaphore, #tpu.memory_space<semaphore_mem>>
      %dma_start3A_56 = tpu.memref_slice %arg3[%add3A_11] : memref<1048576xf32, #tpu.memory_space<hbm>> -> memref<16384xf32, #tpu.memory_space<hbm>>
      %dma_start3A_57 = tpu.memref_slice %arg3[%add3A_11] : memref<1048576xf32, #tpu.memory_space<hbm>> -> memref<16384xf32, #tpu.memory_space<hbm>>
      tpu.enqueue_dma source(%dma_start3A_57 : memref<16384xf32, #tpu.memory_space<hbm>>) target(%arg10 : memref<16384xf32, #tpu.memory_space<vmem>>) target_semaphore(%run_scoped3A : memref<!tpu.dma_semaphore, #tpu.memory_space<semaphore_mem>>)
      %dma_wait3A_58 = tpu.memref_slice %arg3[%add3A_11] : memref<1048576xf32, #tpu.memory_space<hbm>> -> memref<16384xf32, #tpu.memory_space<hbm>>
      %dma_wait3A_59 = tpu.memref_slice %arg3[%add3A_11] : memref<1048576xf32, #tpu.memory_space<hbm>> -> memref<16384xf32, #tpu.memory_space<hbm>>
      tpu.wait_dma2 semaphore(%run_scoped3A : memref<!tpu.dma_semaphore, #tpu.memory_space<semaphore_mem>>) src(%dma_wait3A_59 : memref<16384xf32, #tpu.memory_space<hbm>>) dst(%arg10 : memref<16384xf32, #tpu.memory_space<vmem>>)
      tpu.yield
    }) : () -> ()
    "tpu.region"() ({
      %run_scoped3A = tpu.sem_alloc : memref<!tpu.dma_semaphore, #tpu.memory_space<semaphore_mem>>
      %dma_start3A_56 = tpu.memref_slice %arg4[%add3A_11] : memref<1048576xf32, #tpu.memory_space<hbm>> -> memref<16384xf32, #tpu.memory_space<hbm>>
      %dma_start3A_57 = tpu.memref_slice %arg4[%add3A_11] : memref<1048576xf32, #tpu.memory_space<hbm>> -> memref<16384xf32, #tpu.memory_space<hbm>>
      tpu.enqueue_dma source(%dma_start3A_57 : memref<16384xf32, #tpu.memory_space<hbm>>) target(%arg11 : memref<16384xf32, #tpu.memory_space<vmem>>) target_semaphore(%run_scoped3A : memref<!tpu.dma_semaphore, #tpu.memory_space<semaphore_mem>>)
      %dma_wait3A_58 = tpu.memref_slice %arg4[%add3A_11] : memref<1048576xf32, #tpu.memory_space<hbm>> -> memref<16384xf32, #tpu.memory_space<hbm>>
      %dma_wait3A_59 = tpu.memref_slice %arg4[%add3A_11] : memref<1048576xf32, #tpu.memory_space<hbm>> -> memref<16384xf32, #tpu.memory_space<hbm>>
      tpu.wait_dma2 semaphore(%run_scoped3A : memref<!tpu.dma_semaphore, #tpu.memory_space<semaphore_mem>>) src(%dma_wait3A_59 : memref<16384xf32, #tpu.memory_space<hbm>>) dst(%arg11 : memref<16384xf32, #tpu.memory_space<vmem>>)
      tpu.yield
    }) : () -> ()
    "tpu.region"() ({
      %run_scoped3A = tpu.sem_alloc : memref<!tpu.dma_semaphore, #tpu.memory_space<semaphore_mem>>
      %dma_start3A_56 = tpu.memref_slice %arg5[%add3A_11] : memref<1048576xf32, #tpu.memory_space<hbm>> -> memref<16384xf32, #tpu.memory_space<hbm>>
      %dma_start3A_57 = tpu.memref_slice %arg5[%add3A_11] : memref<1048576xf32, #tpu.memory_space<hbm>> -> memref<16384xf32, #tpu.memory_space<hbm>>
      tpu.enqueue_dma source(%dma_start3A_57 : memref<16384xf32, #tpu.memory_space<hbm>>) target(%arg12 : memref<16384xf32, #tpu.memory_space<vmem>>) target_semaphore(%run_scoped3A : memref<!tpu.dma_semaphore, #tpu.memory_space<semaphore_mem>>)
      %dma_wait3A_58 = tpu.memref_slice %arg5[%add3A_11] : memref<1048576xf32, #tpu.memory_space<hbm>> -> memref<16384xf32, #tpu.memory_space<hbm>>
      %dma_wait3A_59 = tpu.memref_slice %arg5[%add3A_11] : memref<1048576xf32, #tpu.memory_space<hbm>> -> memref<16384xf32, #tpu.memory_space<hbm>>
      tpu.wait_dma2 semaphore(%run_scoped3A : memref<!tpu.dma_semaphore, #tpu.memory_space<semaphore_mem>>) src(%dma_wait3A_59 : memref<16384xf32, #tpu.memory_space<hbm>>) dst(%arg12 : memref<16384xf32, #tpu.memory_space<vmem>>)
      tpu.yield
    }) : () -> ()
    %barrier3A = arith.constant 0 : index
    tpu.barrier barrier_id(%barrier3A)
    %dma_start3A = arith.constant 0 : i32
    %dma_start3A_18 = tpu.memref_slice %arg14[%dma_start3A] : memref<262144xf32, #tpu.memory_space<vmem_shared>> -> memref<262144xf32, #tpu.memory_space<vmem_shared>>
    tpu.enqueue_indirect_dma source(%arg10 : memref<16384xf32, #tpu.memory_space<vmem>>) target(%dma_start3A_18 : memref<262144xf32, #tpu.memory_space<vmem_shared>>) offsets(%arg9 : memref<16384xi32, #tpu.memory_space<vmem>>) semaphore(%arg17 : memref<!tpu.dma_semaphore, #tpu.memory_space<semaphore_mem>>) {add = true}
    %dma_start3A_19 = arith.constant 0 : i32
    %dma_start3A_20 = tpu.memref_slice %arg15[%dma_start3A_19] : memref<262144xf32, #tpu.memory_space<vmem_shared>> -> memref<262144xf32, #tpu.memory_space<vmem_shared>>
    tpu.enqueue_indirect_dma source(%arg11 : memref<16384xf32, #tpu.memory_space<vmem>>) target(%dma_start3A_20 : memref<262144xf32, #tpu.memory_space<vmem_shared>>) offsets(%arg9 : memref<16384xi32, #tpu.memory_space<vmem>>) semaphore(%arg17 : memref<!tpu.dma_semaphore, #tpu.memory_space<semaphore_mem>>) {add = true}
    %dma_start3A_21 = arith.constant 0 : i32
    %dma_start3A_22 = tpu.memref_slice %arg16[%dma_start3A_21] : memref<262144xf32, #tpu.memory_space<vmem_shared>> -> memref<262144xf32, #tpu.memory_space<vmem_shared>>
    tpu.enqueue_indirect_dma source(%arg12 : memref<16384xf32, #tpu.memory_space<vmem>>) target(%dma_start3A_22 : memref<262144xf32, #tpu.memory_space<vmem_shared>>) offsets(%arg9 : memref<16384xi32, #tpu.memory_space<vmem>>) semaphore(%arg17 : memref<!tpu.dma_semaphore, #tpu.memory_space<semaphore_mem>>) {add = true}
    %dma_wait3A = arith.constant 0 : i32
    %dma_wait3A_23 = tpu.memref_slice %arg14[%dma_wait3A] : memref<262144xf32, #tpu.memory_space<vmem_shared>> -> memref<262144xf32, #tpu.memory_space<vmem_shared>>
    tpu.wait_indirect_dma semaphore(%arg17 : memref<!tpu.dma_semaphore, #tpu.memory_space<semaphore_mem>>) src(%arg10 : memref<16384xf32, #tpu.memory_space<vmem>>) dst(%dma_wait3A_23 : memref<262144xf32, #tpu.memory_space<vmem_shared>>)
    %dma_wait3A_24 = arith.constant 0 : i32
    %dma_wait3A_25 = tpu.memref_slice %arg15[%dma_wait3A_24] : memref<262144xf32, #tpu.memory_space<vmem_shared>> -> memref<262144xf32, #tpu.memory_space<vmem_shared>>
    tpu.wait_indirect_dma semaphore(%arg17 : memref<!tpu.dma_semaphore, #tpu.memory_space<semaphore_mem>>) src(%arg11 : memref<16384xf32, #tpu.memory_space<vmem>>) dst(%dma_wait3A_25 : memref<262144xf32, #tpu.memory_space<vmem_shared>>)
    %dma_wait3A_26 = arith.constant 0 : i32
    %dma_wait3A_27 = tpu.memref_slice %arg16[%dma_wait3A_26] : memref<262144xf32, #tpu.memory_space<vmem_shared>> -> memref<262144xf32, #tpu.memory_space<vmem_shared>>
    tpu.wait_indirect_dma semaphore(%arg17 : memref<!tpu.dma_semaphore, #tpu.memory_space<semaphore_mem>>) src(%arg12 : memref<16384xf32, #tpu.memory_space<vmem>>) dst(%dma_wait3A_27 : memref<262144xf32, #tpu.memory_space<vmem_shared>>)
    %barrier3A_28 = arith.constant 0 : index
    tpu.barrier barrier_id(%barrier3A_28)
    "tpu.region"() ({
      %run_scoped3A = tpu.sem_alloc : memref<!tpu.dma_semaphore, #tpu.memory_space<semaphore_mem>>
      %dma_start3A_56 = tpu.memref_slice %arg6[%add3A_11] : memref<1048576xf32, #tpu.memory_space<hbm>> -> memref<16384xf32, #tpu.memory_space<hbm>>
      %dma_start3A_57 = tpu.memref_slice %arg14[%mul3A_0] : memref<262144xf32, #tpu.memory_space<vmem_shared>> -> memref<16384xf32, #tpu.memory_space<vmem_shared>>
      tpu.enqueue_dma source(%dma_start3A_57 : memref<16384xf32, #tpu.memory_space<vmem_shared>>) target(%dma_start3A_56 : memref<16384xf32, #tpu.memory_space<hbm>>) target_semaphore(%run_scoped3A : memref<!tpu.dma_semaphore, #tpu.memory_space<semaphore_mem>>)
      %dma_wait3A_58 = tpu.memref_slice %arg6[%add3A_11] : memref<1048576xf32, #tpu.memory_space<hbm>> -> memref<16384xf32, #tpu.memory_space<hbm>>
      %dma_wait3A_59 = tpu.memref_slice %arg14[%mul3A_0] : memref<262144xf32, #tpu.memory_space<vmem_shared>> -> memref<16384xf32, #tpu.memory_space<vmem_shared>>
      tpu.wait_dma2 semaphore(%run_scoped3A : memref<!tpu.dma_semaphore, #tpu.memory_space<semaphore_mem>>) src(%dma_wait3A_59 : memref<16384xf32, #tpu.memory_space<vmem_shared>>) dst(%dma_wait3A_58 : memref<16384xf32, #tpu.memory_space<hbm>>)
      tpu.yield
    }) : () -> ()
    "tpu.region"() ({
      %run_scoped3A = tpu.sem_alloc : memref<!tpu.dma_semaphore, #tpu.memory_space<semaphore_mem>>
      %dma_start3A_56 = tpu.memref_slice %arg7[%add3A_11] : memref<1048576xf32, #tpu.memory_space<hbm>> -> memref<16384xf32, #tpu.memory_space<hbm>>
      %dma_start3A_57 = tpu.memref_slice %arg15[%mul3A_0] : memref<262144xf32, #tpu.memory_space<vmem_shared>> -> memref<16384xf32, #tpu.memory_space<vmem_shared>>
      tpu.enqueue_dma source(%dma_start3A_57 : memref<16384xf32, #tpu.memory_space<vmem_shared>>) target(%dma_start3A_56 : memref<16384xf32, #tpu.memory_space<hbm>>) target_semaphore(%run_scoped3A : memref<!tpu.dma_semaphore, #tpu.memory_space<semaphore_mem>>)
      %dma_wait3A_58 = tpu.memref_slice %arg7[%add3A_11] : memref<1048576xf32, #tpu.memory_space<hbm>> -> memref<16384xf32, #tpu.memory_space<hbm>>
      %dma_wait3A_59 = tpu.memref_slice %arg15[%mul3A_0] : memref<262144xf32, #tpu.memory_space<vmem_shared>> -> memref<16384xf32, #tpu.memory_space<vmem_shared>>
      tpu.wait_dma2 semaphore(%run_scoped3A : memref<!tpu.dma_semaphore, #tpu.memory_space<semaphore_mem>>) src(%dma_wait3A_59 : memref<16384xf32, #tpu.memory_space<vmem_shared>>) dst(%dma_wait3A_58 : memref<16384xf32, #tpu.memory_space<hbm>>)
      tpu.yield
    }) : () -> ()
    "tpu.region"() ({
      %run_scoped3A = tpu.sem_alloc : memref<!tpu.dma_semaphore, #tpu.memory_space<semaphore_mem>>
      %dma_start3A_56 = tpu.memref_slice %arg8[%add3A_11] : memref<1048576xf32, #tpu.memory_space<hbm>> -> memref<16384xf32, #tpu.memory_space<hbm>>
      %dma_start3A_57 = tpu.memref_slice %arg16[%mul3A_0] : memref<262144xf32, #tpu.memory_space<vmem_shared>> -> memref<16384xf32, #tpu.memory_space<vmem_shared>>
      tpu.enqueue_dma source(%dma_start3A_57 : memref<16384xf32, #tpu.memory_space<vmem_shared>>) target(%dma_start3A_56 : memref<16384xf32, #tpu.memory_space<hbm>>) target_semaphore(%run_scoped3A : memref<!tpu.dma_semaphore, #tpu.memory_space<semaphore_mem>>)
      %dma_wait3A_58 = tpu.memref_slice %arg8[%add3A_11] : memref<1048576xf32, #tpu.memory_space<hbm>> -> memref<16384xf32, #tpu.memory_space<hbm>>
      %dma_wait3A_59 = tpu.memref_slice %arg16[%mul3A_0] : memref<262144xf32, #tpu.memory_space<vmem_shared>> -> memref<16384xf32, #tpu.memory_space<vmem_shared>>
      tpu.wait_dma2 semaphore(%run_scoped3A : memref<!tpu.dma_semaphore, #tpu.memory_space<semaphore_mem>>) src(%dma_wait3A_59 : memref<16384xf32, #tpu.memory_space<vmem_shared>>) dst(%dma_wait3A_58 : memref<16384xf32, #tpu.memory_space<hbm>>)
      tpu.yield
    }) : () -> ()
    %mul3A_29 = arith.constant 2 : i32
    %mul3A_30 = arith.muli %arg0, %mul3A_29 : i32
    %add3A_31 = arith.constant 1 : i32
    %add3A_32 = arith.addi %mul3A_30, %add3A_31 : i32
    %mul3A_33 = arith.constant 262144 : i32
    %mul3A_34 = arith.muli %add3A_32, %mul3A_33 : i32
    %add3A_35 = arith.addi %mul3A_34, %mul3A_0 : i32
    "tpu.region"() ({
      %run_scoped3A = tpu.sem_alloc : memref<!tpu.dma_semaphore, #tpu.memory_space<semaphore_mem>>
      %dma_start3A_56 = tpu.memref_slice %arg14[%mul3A_0] : memref<262144xf32, #tpu.memory_space<vmem_shared>> -> memref<8192xf32, #tpu.memory_space<vmem_shared>>
      %dma_start3A_57 = tpu.memref_slice %arg14[%mul3A_0] : memref<262144xf32, #tpu.memory_space<vmem_shared>> -> memref<8192xf32, #tpu.memory_space<vmem_shared>>
      tpu.enqueue_dma source(%arg13 : memref<8192xf32, #tpu.memory_space<vmem>>) target(%dma_start3A_57 : memref<8192xf32, #tpu.memory_space<vmem_shared>>) target_semaphore(%run_scoped3A : memref<!tpu.dma_semaphore, #tpu.memory_space<semaphore_mem>>)
      %dma_wait3A_58 = tpu.memref_slice %arg14[%mul3A_0] : memref<262144xf32, #tpu.memory_space<vmem_shared>> -> memref<8192xf32, #tpu.memory_space<vmem_shared>>
      %dma_wait3A_59 = tpu.memref_slice %arg14[%mul3A_0] : memref<262144xf32, #tpu.memory_space<vmem_shared>> -> memref<8192xf32, #tpu.memory_space<vmem_shared>>
      tpu.wait_dma2 semaphore(%run_scoped3A : memref<!tpu.dma_semaphore, #tpu.memory_space<semaphore_mem>>) src(%arg13 : memref<8192xf32, #tpu.memory_space<vmem>>) dst(%dma_wait3A_59 : memref<8192xf32, #tpu.memory_space<vmem_shared>>)
      tpu.yield
    }) : () -> ()
    %add3A_36 = arith.constant 8192 : i32
    %add3A_37 = arith.addi %mul3A_0, %add3A_36 : i32
    "tpu.region"() ({
      %run_scoped3A = tpu.sem_alloc : memref<!tpu.dma_semaphore, #tpu.memory_space<semaphore_mem>>
      %dma_start3A_56 = tpu.memref_slice %arg14[%add3A_37] : memref<262144xf32, #tpu.memory_space<vmem_shared>> -> memref<8192xf32, #tpu.memory_space<vmem_shared>>
      %dma_start3A_57 = tpu.memref_slice %arg14[%add3A_37] : memref<262144xf32, #tpu.memory_space<vmem_shared>> -> memref<8192xf32, #tpu.memory_space<vmem_shared>>
      tpu.enqueue_dma source(%arg13 : memref<8192xf32, #tpu.memory_space<vmem>>) target(%dma_start3A_57 : memref<8192xf32, #tpu.memory_space<vmem_shared>>) target_semaphore(%run_scoped3A : memref<!tpu.dma_semaphore, #tpu.memory_space<semaphore_mem>>)
      %dma_wait3A_58 = tpu.memref_slice %arg14[%add3A_37] : memref<262144xf32, #tpu.memory_space<vmem_shared>> -> memref<8192xf32, #tpu.memory_space<vmem_shared>>
      %dma_wait3A_59 = tpu.memref_slice %arg14[%add3A_37] : memref<262144xf32, #tpu.memory_space<vmem_shared>> -> memref<8192xf32, #tpu.memory_space<vmem_shared>>
      tpu.wait_dma2 semaphore(%run_scoped3A : memref<!tpu.dma_semaphore, #tpu.memory_space<semaphore_mem>>) src(%arg13 : memref<8192xf32, #tpu.memory_space<vmem>>) dst(%dma_wait3A_59 : memref<8192xf32, #tpu.memory_space<vmem_shared>>)
      tpu.yield
    }) : () -> ()
    "tpu.region"() ({
      %run_scoped3A = tpu.sem_alloc : memref<!tpu.dma_semaphore, #tpu.memory_space<semaphore_mem>>
      %dma_start3A_56 = tpu.memref_slice %arg15[%mul3A_0] : memref<262144xf32, #tpu.memory_space<vmem_shared>> -> memref<8192xf32, #tpu.memory_space<vmem_shared>>
      %dma_start3A_57 = tpu.memref_slice %arg15[%mul3A_0] : memref<262144xf32, #tpu.memory_space<vmem_shared>> -> memref<8192xf32, #tpu.memory_space<vmem_shared>>
      tpu.enqueue_dma source(%arg13 : memref<8192xf32, #tpu.memory_space<vmem>>) target(%dma_start3A_57 : memref<8192xf32, #tpu.memory_space<vmem_shared>>) target_semaphore(%run_scoped3A : memref<!tpu.dma_semaphore, #tpu.memory_space<semaphore_mem>>)
      %dma_wait3A_58 = tpu.memref_slice %arg15[%mul3A_0] : memref<262144xf32, #tpu.memory_space<vmem_shared>> -> memref<8192xf32, #tpu.memory_space<vmem_shared>>
      %dma_wait3A_59 = tpu.memref_slice %arg15[%mul3A_0] : memref<262144xf32, #tpu.memory_space<vmem_shared>> -> memref<8192xf32, #tpu.memory_space<vmem_shared>>
      tpu.wait_dma2 semaphore(%run_scoped3A : memref<!tpu.dma_semaphore, #tpu.memory_space<semaphore_mem>>) src(%arg13 : memref<8192xf32, #tpu.memory_space<vmem>>) dst(%dma_wait3A_59 : memref<8192xf32, #tpu.memory_space<vmem_shared>>)
      tpu.yield
    }) : () -> ()
    %add3A_38 = arith.constant 8192 : i32
    %add3A_39 = arith.addi %mul3A_0, %add3A_38 : i32
    "tpu.region"() ({
      %run_scoped3A = tpu.sem_alloc : memref<!tpu.dma_semaphore, #tpu.memory_space<semaphore_mem>>
      %dma_start3A_56 = tpu.memref_slice %arg15[%add3A_39] : memref<262144xf32, #tpu.memory_space<vmem_shared>> -> memref<8192xf32, #tpu.memory_space<vmem_shared>>
      %dma_start3A_57 = tpu.memref_slice %arg15[%add3A_39] : memref<262144xf32, #tpu.memory_space<vmem_shared>> -> memref<8192xf32, #tpu.memory_space<vmem_shared>>
      tpu.enqueue_dma source(%arg13 : memref<8192xf32, #tpu.memory_space<vmem>>) target(%dma_start3A_57 : memref<8192xf32, #tpu.memory_space<vmem_shared>>) target_semaphore(%run_scoped3A : memref<!tpu.dma_semaphore, #tpu.memory_space<semaphore_mem>>)
      %dma_wait3A_58 = tpu.memref_slice %arg15[%add3A_39] : memref<262144xf32, #tpu.memory_space<vmem_shared>> -> memref<8192xf32, #tpu.memory_space<vmem_shared>>
      %dma_wait3A_59 = tpu.memref_slice %arg15[%add3A_39] : memref<262144xf32, #tpu.memory_space<vmem_shared>> -> memref<8192xf32, #tpu.memory_space<vmem_shared>>
      tpu.wait_dma2 semaphore(%run_scoped3A : memref<!tpu.dma_semaphore, #tpu.memory_space<semaphore_mem>>) src(%arg13 : memref<8192xf32, #tpu.memory_space<vmem>>) dst(%dma_wait3A_59 : memref<8192xf32, #tpu.memory_space<vmem_shared>>)
      tpu.yield
    }) : () -> ()
    "tpu.region"() ({
      %run_scoped3A = tpu.sem_alloc : memref<!tpu.dma_semaphore, #tpu.memory_space<semaphore_mem>>
      %dma_start3A_56 = tpu.memref_slice %arg16[%mul3A_0] : memref<262144xf32, #tpu.memory_space<vmem_shared>> -> memref<8192xf32, #tpu.memory_space<vmem_shared>>
      %dma_start3A_57 = tpu.memref_slice %arg16[%mul3A_0] : memref<262144xf32, #tpu.memory_space<vmem_shared>> -> memref<8192xf32, #tpu.memory_space<vmem_shared>>
      tpu.enqueue_dma source(%arg13 : memref<8192xf32, #tpu.memory_space<vmem>>) target(%dma_start3A_57 : memref<8192xf32, #tpu.memory_space<vmem_shared>>) target_semaphore(%run_scoped3A : memref<!tpu.dma_semaphore, #tpu.memory_space<semaphore_mem>>)
      %dma_wait3A_58 = tpu.memref_slice %arg16[%mul3A_0] : memref<262144xf32, #tpu.memory_space<vmem_shared>> -> memref<8192xf32, #tpu.memory_space<vmem_shared>>
      %dma_wait3A_59 = tpu.memref_slice %arg16[%mul3A_0] : memref<262144xf32, #tpu.memory_space<vmem_shared>> -> memref<8192xf32, #tpu.memory_space<vmem_shared>>
      tpu.wait_dma2 semaphore(%run_scoped3A : memref<!tpu.dma_semaphore, #tpu.memory_space<semaphore_mem>>) src(%arg13 : memref<8192xf32, #tpu.memory_space<vmem>>) dst(%dma_wait3A_59 : memref<8192xf32, #tpu.memory_space<vmem_shared>>)
      tpu.yield
    }) : () -> ()
    %add3A_40 = arith.constant 8192 : i32
    %add3A_41 = arith.addi %mul3A_0, %add3A_40 : i32
    "tpu.region"() ({
      %run_scoped3A = tpu.sem_alloc : memref<!tpu.dma_semaphore, #tpu.memory_space<semaphore_mem>>
      %dma_start3A_56 = tpu.memref_slice %arg16[%add3A_41] : memref<262144xf32, #tpu.memory_space<vmem_shared>> -> memref<8192xf32, #tpu.memory_space<vmem_shared>>
      %dma_start3A_57 = tpu.memref_slice %arg16[%add3A_41] : memref<262144xf32, #tpu.memory_space<vmem_shared>> -> memref<8192xf32, #tpu.memory_space<vmem_shared>>
      tpu.enqueue_dma source(%arg13 : memref<8192xf32, #tpu.memory_space<vmem>>) target(%dma_start3A_57 : memref<8192xf32, #tpu.memory_space<vmem_shared>>) target_semaphore(%run_scoped3A : memref<!tpu.dma_semaphore, #tpu.memory_space<semaphore_mem>>)
      %dma_wait3A_58 = tpu.memref_slice %arg16[%add3A_41] : memref<262144xf32, #tpu.memory_space<vmem_shared>> -> memref<8192xf32, #tpu.memory_space<vmem_shared>>
      %dma_wait3A_59 = tpu.memref_slice %arg16[%add3A_41] : memref<262144xf32, #tpu.memory_space<vmem_shared>> -> memref<8192xf32, #tpu.memory_space<vmem_shared>>
      tpu.wait_dma2 semaphore(%run_scoped3A : memref<!tpu.dma_semaphore, #tpu.memory_space<semaphore_mem>>) src(%arg13 : memref<8192xf32, #tpu.memory_space<vmem>>) dst(%dma_wait3A_59 : memref<8192xf32, #tpu.memory_space<vmem_shared>>)
      tpu.yield
    }) : () -> ()
    "tpu.region"() ({
      %run_scoped3A = tpu.sem_alloc : memref<!tpu.dma_semaphore, #tpu.memory_space<semaphore_mem>>
      %dma_start3A_56 = tpu.memref_slice %arg2[%add3A_35] : memref<1048576xi32, #tpu.memory_space<hbm>> -> memref<16384xi32, #tpu.memory_space<hbm>>
      %dma_start3A_57 = tpu.memref_slice %arg2[%add3A_35] : memref<1048576xi32, #tpu.memory_space<hbm>> -> memref<16384xi32, #tpu.memory_space<hbm>>
      tpu.enqueue_dma source(%dma_start3A_57 : memref<16384xi32, #tpu.memory_space<hbm>>) target(%arg9 : memref<16384xi32, #tpu.memory_space<vmem>>) target_semaphore(%run_scoped3A : memref<!tpu.dma_semaphore, #tpu.memory_space<semaphore_mem>>)
      %dma_wait3A_58 = tpu.memref_slice %arg2[%add3A_35] : memref<1048576xi32, #tpu.memory_space<hbm>> -> memref<16384xi32, #tpu.memory_space<hbm>>
      %dma_wait3A_59 = tpu.memref_slice %arg2[%add3A_35] : memref<1048576xi32, #tpu.memory_space<hbm>> -> memref<16384xi32, #tpu.memory_space<hbm>>
      tpu.wait_dma2 semaphore(%run_scoped3A : memref<!tpu.dma_semaphore, #tpu.memory_space<semaphore_mem>>) src(%dma_wait3A_59 : memref<16384xi32, #tpu.memory_space<hbm>>) dst(%arg9 : memref<16384xi32, #tpu.memory_space<vmem>>)
      tpu.yield
    }) : () -> ()
    "tpu.region"() ({
      %run_scoped3A = tpu.sem_alloc : memref<!tpu.dma_semaphore, #tpu.memory_space<semaphore_mem>>
      %dma_start3A_56 = tpu.memref_slice %arg3[%add3A_35] : memref<1048576xf32, #tpu.memory_space<hbm>> -> memref<16384xf32, #tpu.memory_space<hbm>>
      %dma_start3A_57 = tpu.memref_slice %arg3[%add3A_35] : memref<1048576xf32, #tpu.memory_space<hbm>> -> memref<16384xf32, #tpu.memory_space<hbm>>
      tpu.enqueue_dma source(%dma_start3A_57 : memref<16384xf32, #tpu.memory_space<hbm>>) target(%arg10 : memref<16384xf32, #tpu.memory_space<vmem>>) target_semaphore(%run_scoped3A : memref<!tpu.dma_semaphore, #tpu.memory_space<semaphore_mem>>)
      %dma_wait3A_58 = tpu.memref_slice %arg3[%add3A_35] : memref<1048576xf32, #tpu.memory_space<hbm>> -> memref<16384xf32, #tpu.memory_space<hbm>>
      %dma_wait3A_59 = tpu.memref_slice %arg3[%add3A_35] : memref<1048576xf32, #tpu.memory_space<hbm>> -> memref<16384xf32, #tpu.memory_space<hbm>>
      tpu.wait_dma2 semaphore(%run_scoped3A : memref<!tpu.dma_semaphore, #tpu.memory_space<semaphore_mem>>) src(%dma_wait3A_59 : memref<16384xf32, #tpu.memory_space<hbm>>) dst(%arg10 : memref<16384xf32, #tpu.memory_space<vmem>>)
      tpu.yield
    }) : () -> ()
    "tpu.region"() ({
      %run_scoped3A = tpu.sem_alloc : memref<!tpu.dma_semaphore, #tpu.memory_space<semaphore_mem>>
      %dma_start3A_56 = tpu.memref_slice %arg4[%add3A_35] : memref<1048576xf32, #tpu.memory_space<hbm>> -> memref<16384xf32, #tpu.memory_space<hbm>>
      %dma_start3A_57 = tpu.memref_slice %arg4[%add3A_35] : memref<1048576xf32, #tpu.memory_space<hbm>> -> memref<16384xf32, #tpu.memory_space<hbm>>
      tpu.enqueue_dma source(%dma_start3A_57 : memref<16384xf32, #tpu.memory_space<hbm>>) target(%arg11 : memref<16384xf32, #tpu.memory_space<vmem>>) target_semaphore(%run_scoped3A : memref<!tpu.dma_semaphore, #tpu.memory_space<semaphore_mem>>)
      %dma_wait3A_58 = tpu.memref_slice %arg4[%add3A_35] : memref<1048576xf32, #tpu.memory_space<hbm>> -> memref<16384xf32, #tpu.memory_space<hbm>>
      %dma_wait3A_59 = tpu.memref_slice %arg4[%add3A_35] : memref<1048576xf32, #tpu.memory_space<hbm>> -> memref<16384xf32, #tpu.memory_space<hbm>>
      tpu.wait_dma2 semaphore(%run_scoped3A : memref<!tpu.dma_semaphore, #tpu.memory_space<semaphore_mem>>) src(%dma_wait3A_59 : memref<16384xf32, #tpu.memory_space<hbm>>) dst(%arg11 : memref<16384xf32, #tpu.memory_space<vmem>>)
      tpu.yield
    }) : () -> ()
    "tpu.region"() ({
      %run_scoped3A = tpu.sem_alloc : memref<!tpu.dma_semaphore, #tpu.memory_space<semaphore_mem>>
      %dma_start3A_56 = tpu.memref_slice %arg5[%add3A_35] : memref<1048576xf32, #tpu.memory_space<hbm>> -> memref<16384xf32, #tpu.memory_space<hbm>>
      %dma_start3A_57 = tpu.memref_slice %arg5[%add3A_35] : memref<1048576xf32, #tpu.memory_space<hbm>> -> memref<16384xf32, #tpu.memory_space<hbm>>
      tpu.enqueue_dma source(%dma_start3A_57 : memref<16384xf32, #tpu.memory_space<hbm>>) target(%arg12 : memref<16384xf32, #tpu.memory_space<vmem>>) target_semaphore(%run_scoped3A : memref<!tpu.dma_semaphore, #tpu.memory_space<semaphore_mem>>)
      %dma_wait3A_58 = tpu.memref_slice %arg5[%add3A_35] : memref<1048576xf32, #tpu.memory_space<hbm>> -> memref<16384xf32, #tpu.memory_space<hbm>>
      %dma_wait3A_59 = tpu.memref_slice %arg5[%add3A_35] : memref<1048576xf32, #tpu.memory_space<hbm>> -> memref<16384xf32, #tpu.memory_space<hbm>>
      tpu.wait_dma2 semaphore(%run_scoped3A : memref<!tpu.dma_semaphore, #tpu.memory_space<semaphore_mem>>) src(%dma_wait3A_59 : memref<16384xf32, #tpu.memory_space<hbm>>) dst(%arg12 : memref<16384xf32, #tpu.memory_space<vmem>>)
      tpu.yield
    }) : () -> ()
    %barrier3A_42 = arith.constant 0 : index
    tpu.barrier barrier_id(%barrier3A_42)
    %dma_start3A_43 = arith.constant 0 : i32
    %dma_start3A_44 = tpu.memref_slice %arg14[%dma_start3A_43] : memref<262144xf32, #tpu.memory_space<vmem_shared>> -> memref<262144xf32, #tpu.memory_space<vmem_shared>>
    tpu.enqueue_indirect_dma source(%arg10 : memref<16384xf32, #tpu.memory_space<vmem>>) target(%dma_start3A_44 : memref<262144xf32, #tpu.memory_space<vmem_shared>>) offsets(%arg9 : memref<16384xi32, #tpu.memory_space<vmem>>) semaphore(%arg17 : memref<!tpu.dma_semaphore, #tpu.memory_space<semaphore_mem>>) {add = true}
    %dma_start3A_45 = arith.constant 0 : i32
    %dma_start3A_46 = tpu.memref_slice %arg15[%dma_start3A_45] : memref<262144xf32, #tpu.memory_space<vmem_shared>> -> memref<262144xf32, #tpu.memory_space<vmem_shared>>
    tpu.enqueue_indirect_dma source(%arg11 : memref<16384xf32, #tpu.memory_space<vmem>>) target(%dma_start3A_46 : memref<262144xf32, #tpu.memory_space<vmem_shared>>) offsets(%arg9 : memref<16384xi32, #tpu.memory_space<vmem>>) semaphore(%arg17 : memref<!tpu.dma_semaphore, #tpu.memory_space<semaphore_mem>>) {add = true}
    %dma_start3A_47 = arith.constant 0 : i32
    %dma_start3A_48 = tpu.memref_slice %arg16[%dma_start3A_47] : memref<262144xf32, #tpu.memory_space<vmem_shared>> -> memref<262144xf32, #tpu.memory_space<vmem_shared>>
    tpu.enqueue_indirect_dma source(%arg12 : memref<16384xf32, #tpu.memory_space<vmem>>) target(%dma_start3A_48 : memref<262144xf32, #tpu.memory_space<vmem_shared>>) offsets(%arg9 : memref<16384xi32, #tpu.memory_space<vmem>>) semaphore(%arg17 : memref<!tpu.dma_semaphore, #tpu.memory_space<semaphore_mem>>) {add = true}
    %dma_wait3A_49 = arith.constant 0 : i32
    %dma_wait3A_50 = tpu.memref_slice %arg14[%dma_wait3A_49] : memref<262144xf32, #tpu.memory_space<vmem_shared>> -> memref<262144xf32, #tpu.memory_space<vmem_shared>>
    tpu.wait_indirect_dma semaphore(%arg17 : memref<!tpu.dma_semaphore, #tpu.memory_space<semaphore_mem>>) src(%arg10 : memref<16384xf32, #tpu.memory_space<vmem>>) dst(%dma_wait3A_50 : memref<262144xf32, #tpu.memory_space<vmem_shared>>)
    %dma_wait3A_51 = arith.constant 0 : i32
    %dma_wait3A_52 = tpu.memref_slice %arg15[%dma_wait3A_51] : memref<262144xf32, #tpu.memory_space<vmem_shared>> -> memref<262144xf32, #tpu.memory_space<vmem_shared>>
    tpu.wait_indirect_dma semaphore(%arg17 : memref<!tpu.dma_semaphore, #tpu.memory_space<semaphore_mem>>) src(%arg11 : memref<16384xf32, #tpu.memory_space<vmem>>) dst(%dma_wait3A_52 : memref<262144xf32, #tpu.memory_space<vmem_shared>>)
    %dma_wait3A_53 = arith.constant 0 : i32
    %dma_wait3A_54 = tpu.memref_slice %arg16[%dma_wait3A_53] : memref<262144xf32, #tpu.memory_space<vmem_shared>> -> memref<262144xf32, #tpu.memory_space<vmem_shared>>
    tpu.wait_indirect_dma semaphore(%arg17 : memref<!tpu.dma_semaphore, #tpu.memory_space<semaphore_mem>>) src(%arg12 : memref<16384xf32, #tpu.memory_space<vmem>>) dst(%dma_wait3A_54 : memref<262144xf32, #tpu.memory_space<vmem_shared>>)
    %barrier3A_55 = arith.constant 0 : index
    tpu.barrier barrier_id(%barrier3A_55)
    "tpu.region"() ({
      %run_scoped3A = tpu.sem_alloc : memref<!tpu.dma_semaphore, #tpu.memory_space<semaphore_mem>>
      %dma_start3A_56 = tpu.memref_slice %arg6[%add3A_35] : memref<1048576xf32, #tpu.memory_space<hbm>> -> memref<16384xf32, #tpu.memory_space<hbm>>
      %dma_start3A_57 = tpu.memref_slice %arg14[%mul3A_0] : memref<262144xf32, #tpu.memory_space<vmem_shared>> -> memref<16384xf32, #tpu.memory_space<vmem_shared>>
      tpu.enqueue_dma source(%dma_start3A_57 : memref<16384xf32, #tpu.memory_space<vmem_shared>>) target(%dma_start3A_56 : memref<16384xf32, #tpu.memory_space<hbm>>) target_semaphore(%run_scoped3A : memref<!tpu.dma_semaphore, #tpu.memory_space<semaphore_mem>>)
      %dma_wait3A_58 = tpu.memref_slice %arg6[%add3A_35] : memref<1048576xf32, #tpu.memory_space<hbm>> -> memref<16384xf32, #tpu.memory_space<hbm>>
      %dma_wait3A_59 = tpu.memref_slice %arg14[%mul3A_0] : memref<262144xf32, #tpu.memory_space<vmem_shared>> -> memref<16384xf32, #tpu.memory_space<vmem_shared>>
      tpu.wait_dma2 semaphore(%run_scoped3A : memref<!tpu.dma_semaphore, #tpu.memory_space<semaphore_mem>>) src(%dma_wait3A_59 : memref<16384xf32, #tpu.memory_space<vmem_shared>>) dst(%dma_wait3A_58 : memref<16384xf32, #tpu.memory_space<hbm>>)
      tpu.yield
    }) : () -> ()
    "tpu.region"() ({
      %run_scoped3A = tpu.sem_alloc : memref<!tpu.dma_semaphore, #tpu.memory_space<semaphore_mem>>
      %dma_start3A_56 = tpu.memref_slice %arg7[%add3A_35] : memref<1048576xf32, #tpu.memory_space<hbm>> -> memref<16384xf32, #tpu.memory_space<hbm>>
      %dma_start3A_57 = tpu.memref_slice %arg15[%mul3A_0] : memref<262144xf32, #tpu.memory_space<vmem_shared>> -> memref<16384xf32, #tpu.memory_space<vmem_shared>>
      tpu.enqueue_dma source(%dma_start3A_57 : memref<16384xf32, #tpu.memory_space<vmem_shared>>) target(%dma_start3A_56 : memref<16384xf32, #tpu.memory_space<hbm>>) target_semaphore(%run_scoped3A : memref<!tpu.dma_semaphore, #tpu.memory_space<semaphore_mem>>)
      %dma_wait3A_58 = tpu.memref_slice %arg7[%add3A_35] : memref<1048576xf32, #tpu.memory_space<hbm>> -> memref<16384xf32, #tpu.memory_space<hbm>>
      %dma_wait3A_59 = tpu.memref_slice %arg15[%mul3A_0] : memref<262144xf32, #tpu.memory_space<vmem_shared>> -> memref<16384xf32, #tpu.memory_space<vmem_shared>>
      tpu.wait_dma2 semaphore(%run_scoped3A : memref<!tpu.dma_semaphore, #tpu.memory_space<semaphore_mem>>) src(%dma_wait3A_59 : memref<16384xf32, #tpu.memory_space<vmem_shared>>) dst(%dma_wait3A_58 : memref<16384xf32, #tpu.memory_space<hbm>>)
      tpu.yield
    }) : () -> ()
    "tpu.region"() ({
      %run_scoped3A = tpu.sem_alloc : memref<!tpu.dma_semaphore, #tpu.memory_space<semaphore_mem>>
      %dma_start3A_56 = tpu.memref_slice %arg8[%add3A_35] : memref<1048576xf32, #tpu.memory_space<hbm>> -> memref<16384xf32, #tpu.memory_space<hbm>>
      %dma_start3A_57 = tpu.memref_slice %arg16[%mul3A_0] : memref<262144xf32, #tpu.memory_space<vmem_shared>> -> memref<16384xf32, #tpu.memory_space<vmem_shared>>
      tpu.enqueue_dma source(%dma_start3A_57 : memref<16384xf32, #tpu.memory_space<vmem_shared>>) target(%dma_start3A_56 : memref<16384xf32, #tpu.memory_space<hbm>>) target_semaphore(%run_scoped3A : memref<!tpu.dma_semaphore, #tpu.memory_space<semaphore_mem>>)
      %dma_wait3A_58 = tpu.memref_slice %arg8[%add3A_35] : memref<1048576xf32, #tpu.memory_space<hbm>> -> memref<16384xf32, #tpu.memory_space<hbm>>
      %dma_wait3A_59 = tpu.memref_slice %arg16[%mul3A_0] : memref<262144xf32, #tpu.memory_space<vmem_shared>> -> memref<16384xf32, #tpu.memory_space<vmem_shared>>
      tpu.wait_dma2 semaphore(%run_scoped3A : memref<!tpu.dma_semaphore, #tpu.memory_space<semaphore_mem>>) src(%dma_wait3A_59 : memref<16384xf32, #tpu.memory_space<vmem_shared>>) dst(%dma_wait3A_58 : memref<16384xf32, #tpu.memory_space<hbm>>)
      tpu.yield
    }) : () -> ()
    return
  }
}

module attributes {stable_mosaic.version = 14 : i64} {
  func.func @_fin_body_second(%arg0: i32, %arg1: memref<8x2x512x512xf32, #tpu.memory_space<hbm>>, %arg2: memref<2048x128xf32, #tpu.memory_space<vmem>>, %arg3: memref<2048x128xf32, #tpu.memory_space<vmem>>, %arg4: memref<2048x128xf32, #tpu.memory_space<vmem>>, %arg5: memref<1x2x512x512xf32, #tpu.memory_space<vmem>>) attributes {dimension_semantics = [#tpu.dimension_semantics<arbitrary>], iteration_bounds = array<i64: 4>, scalar_prefetch = 0 : i64, scratch_operands = 0 : i64, tpu.core_type = #tpu.core_type<tc>, window_params = [{}, {transform_indices = @transform_1, window_bounds = array<i64: 2048, 128>}, {transform_indices = @transform_2, window_bounds = array<i64: 2048, 128>}, {transform_indices = @transform_3, window_bounds = array<i64: 2048, 128>}, {transform_indices = @transform_4, window_bounds = array<i64: 1, 2, 512, 512>}]} {
    %get3A = arith.constant 0 : index
    %get3A_0 = arith.constant 0 : index
    %get3A_1 = vector.load %arg2[%get3A, %get3A_0] : memref<2048x128xf32, #tpu.memory_space<vmem>>, vector<2048x128xf32>
    %get3A_2 = arith.constant 0 : index
    %get3A_3 = arith.constant 0 : index
    %get3A_4 = vector.load %arg3[%get3A_2, %get3A_3] : memref<2048x128xf32, #tpu.memory_space<vmem>>, vector<2048x128xf32>
    %get3A_5 = arith.constant 0 : index
    %get3A_6 = arith.constant 0 : index
    %get3A_7 = vector.load %arg4[%get3A_5, %get3A_6] : memref<2048x128xf32, #tpu.memory_space<vmem>>, vector<2048x128xf32>
    %ne3A = arith.constant 0.000000e+00 : f32
    %ne3A_8 = vector.broadcast %ne3A : f32 to vector<2048x128xf32>
    %ne3A_9 = arith.cmpf one, %get3A_1, %ne3A_8 : vector<2048x128xf32>
    %add3A = arith.constant 1.000000e-07 : f32
    %add3A_10 = vector.broadcast %add3A : f32 to vector<2048x128xf32>
    %add3A_11 = arith.addf %get3A_7, %add3A_10 : vector<2048x128xf32>
    %div3A = arith.constant 1.000000e+00 : f32
    %div3A_12 = vector.broadcast %div3A : f32 to vector<2048x128xf32>
    %div3A_13 = arith.divf %div3A_12, %add3A_11 : vector<2048x128xf32>
    %jit3A = arith.constant 0.000000e+00 : f32
    %broadcast_in_dim3A = vector.broadcast %jit3A : f32 to vector<2048x128xf32>
    %select_n3A = arith.select %ne3A_9, %div3A_13, %broadcast_in_dim3A : vector<2048x128xi1>, vector<2048x128xf32>
    %mul3A = arith.mulf %get3A_1, %select_n3A : vector<2048x128xf32>
    %reshape3A = vector.shape_cast %mul3A : vector<2048x128xf32> to vector<512x512xf32>
    %swap3A = arith.constant 0 : index
    %swap3A_14 = arith.constant 0 : index
    %swap3A_15 = arith.constant 0 : index
    %swap3A_16 = arith.constant 0 : index
    %swap3A_17 = vector.load %arg5[%swap3A, %swap3A_14, %swap3A_15, %swap3A_16] : memref<1x2x512x512xf32, #tpu.memory_space<vmem>>, vector<1x1x512x512xf32>
    %swap3A_18 = vector.shape_cast %swap3A_17 : vector<1x1x512x512xf32> to vector<512x512xf32>
    %swap3A_19 = vector.shape_cast %reshape3A : vector<512x512xf32> to vector<1x1x512x512xf32>
    tpu.vector_store %arg5[%swap3A, %swap3A_14, %swap3A_15, %swap3A_16], %swap3A_19 {strides = array<i32>} : memref<1x2x512x512xf32, #tpu.memory_space<vmem>>, vector<1x1x512x512xf32>,
    %mul3A_20 = arith.mulf %get3A_4, %select_n3A : vector<2048x128xf32>
    %reshape3A_21 = vector.shape_cast %mul3A_20 : vector<2048x128xf32> to vector<512x512xf32>
    %swap3A_22 = arith.constant 0 : index
    %swap3A_23 = arith.constant 1 : index
    %swap3A_24 = arith.constant 0 : index
    %swap3A_25 = arith.constant 0 : index
    %swap3A_26 = vector.load %arg5[%swap3A_22, %swap3A_23, %swap3A_24, %swap3A_25] : memref<1x2x512x512xf32, #tpu.memory_space<vmem>>, vector<1x1x512x512xf32>
    %swap3A_27 = vector.shape_cast %swap3A_26 : vector<1x1x512x512xf32> to vector<512x512xf32>
    %swap3A_28 = vector.shape_cast %reshape3A_21 : vector<512x512xf32> to vector<1x1x512x512xf32>
    tpu.vector_store %arg5[%swap3A_22, %swap3A_23, %swap3A_24, %swap3A_25], %swap3A_28 {strides = array<i32>} : memref<1x2x512x512xf32, #tpu.memory_space<vmem>>, vector<1x1x512x512xf32>,
    return
  }
  func.func @transform_1(%arg0: i32) -> (i32, i32) {
    %c0_i32 = arith.constant 0 : i32
    %c0_i32_0 = arith.constant 0 : i32
    return %arg0, %c0_i32 : i32, i32
  }
  func.func @transform_2(%arg0: i32) -> (i32, i32) {
    %c0_i32 = arith.constant 0 : i32
    %c0_i32_0 = arith.constant 0 : i32
    return %arg0, %c0_i32 : i32, i32
  }
  func.func @transform_3(%arg0: i32) -> (i32, i32) {
    %c0_i32 = arith.constant 0 : i32
    %c0_i32_0 = arith.constant 0 : i32
    return %arg0, %c0_i32 : i32, i32
  }
  func.func @transform_4(%arg0: i32) -> (i32, i32, i32, i32) {
    %add3A = arith.constant 4 : i32
    %add3A_0 = arith.addi %add3A, %arg0 : i32
    %c0_i32 = arith.constant 0 : i32
    %c0_i32_1 = arith.constant 0 : i32
    %c0_i32_2 = arith.constant 0 : i32
    %c0_i32_3 = arith.constant 0 : i32
    return %add3A_0, %c0_i32, %c0_i32_1, %c0_i32_2 : i32, i32, i32, i32
  }
}

module attributes {stable_mosaic.version = 14 : i64} {
  func.func @_prep_body(%arg0: i32, %arg1: memref<1x2x512x512xf32, #tpu.memory_space<vmem>>, %arg2: memref<1x1x512x512xf32, #tpu.memory_space<vmem>>, %arg3: memref<2048x128xi32, #tpu.memory_space<vmem>>, %arg4: memref<2048x128xf32, #tpu.memory_space<vmem>>, %arg5: memref<2048x128xf32, #tpu.memory_space<vmem>>, %arg6: memref<2048x128xf32, #tpu.memory_space<vmem>>) attributes {dimension_semantics = [#tpu.dimension_semantics<arbitrary>], iteration_bounds = array<i64: 4>, scalar_prefetch = 0 : i64, scratch_operands = 0 : i64, tpu.core_type = #tpu.core_type<tc>, window_params = [{transform_indices = @transform_0, window_bounds = array<i64: 1, 2, 512, 512>}, {transform_indices = @transform_1, window_bounds = array<i64: 1, 1, 512, 512>}, {transform_indices = @transform_2, window_bounds = array<i64: 2048, 128>}, {transform_indices = @transform_3, window_bounds = array<i64: 2048, 128>}, {transform_indices = @transform_4, window_bounds = array<i64: 2048, 128>}, {transform_indices = @transform_5, window_bounds = array<i64: 2048, 128>}]} {
    %get3A = arith.constant 0 : index
    %get3A_0 = arith.constant 0 : index
    %get3A_1 = arith.constant 0 : index
    %get3A_2 = arith.constant 0 : index
    %get3A_3 = vector.load %arg1[%get3A, %get3A_0, %get3A_1, %get3A_2] : memref<1x2x512x512xf32, #tpu.memory_space<vmem>>, vector<1x1x512x512xf32>
    %get3A_4 = vector.shape_cast %get3A_3 : vector<1x1x512x512xf32> to vector<512x512xf32>
    %reshape3A = vector.shape_cast %get3A_4 : vector<512x512xf32> to vector<2048x128xf32>
    %get3A_5 = arith.constant 0 : index
    %get3A_6 = arith.constant 1 : index
    %get3A_7 = arith.constant 0 : index
    %get3A_8 = arith.constant 0 : index
    %get3A_9 = vector.load %arg1[%get3A_5, %get3A_6, %get3A_7, %get3A_8] : memref<1x2x512x512xf32, #tpu.memory_space<vmem>>, vector<1x1x512x512xf32>
    %get3A_10 = vector.shape_cast %get3A_9 : vector<1x1x512x512xf32> to vector<512x512xf32>
    %reshape3A_11 = vector.shape_cast %get3A_10 : vector<512x512xf32> to vector<2048x128xf32>
    %get3A_12 = arith.constant 0 : index
    %get3A_13 = arith.constant 0 : index
    %get3A_14 = arith.constant 0 : index
    %get3A_15 = arith.constant 0 : index
    %get3A_16 = vector.load %arg2[%get3A_12, %get3A_13, %get3A_14, %get3A_15] : memref<1x1x512x512xf32, #tpu.memory_space<vmem>>, vector<1x1x512x512xf32>
    %get3A_17 = vector.shape_cast %get3A_16 : vector<1x1x512x512xf32> to vector<512x512xf32>
    %reshape3A_18 = vector.shape_cast %get3A_17 : vector<512x512xf32> to vector<2048x128xf32>
    %iota3A = tpu.iota {dimensions = array<i32: 0>} : vector<2048x128xi32>
    %iota3A_19 = tpu.iota {dimensions = array<i32: 1>} : vector<2048x128xi32>
    %and3A = arith.constant 3 : i32
    %and3A_20 = vector.broadcast %and3A : i32 to vector<2048x128xi32>
    %and3A_21 = arith.andi %iota3A, %and3A_20 : vector<2048x128xi32>
    %shift_left3A = arith.constant 7 : i32
    %shift_left3A_22 = vector.broadcast %shift_left3A : i32 to vector<2048x128xi32>
    %shift_left3A_23 = arith.shli %and3A_21, %shift_left3A_22 : vector<2048x128xi32>
    %add3A = arith.addi %shift_left3A_23, %iota3A_19 : vector<2048x128xi32>
    %shift_right_arithmetic3A = arith.constant 2 : i32
    %shift_right_arithmetic3A_24 = vector.broadcast %shift_right_arithmetic3A : i32 to vector<2048x128xi32>
    %shift_right_arithmetic3A_25 = arith.shrsi %iota3A, %shift_right_arithmetic3A_24 : vector<2048x128xi32>
    %convert_element_type3A = arith.sitofp %add3A : vector<2048x128xi32> to vector<2048x128xf32>
    %sub3A = arith.subf %convert_element_type3A, %reshape3A : vector<2048x128xf32>
    %round3A = math.roundeven %sub3A : vector<2048x128xf32>
    %convert_element_type3A_26 = arith.sitofp %shift_right_arithmetic3A_25 : vector<2048x128xi32> to vector<2048x128xf32>
    %sub3A_27 = arith.subf %convert_element_type3A_26, %reshape3A_11 : vector<2048x128xf32>
    %round3A_28 = math.roundeven %sub3A_27 : vector<2048x128xf32>
    %ge3A = arith.constant 0.000000e+00 : f32
    %ge3A_29 = vector.broadcast %ge3A : f32 to vector<2048x128xf32>
    %ge3A_30 = arith.cmpf oge, %round3A, %ge3A_29 : vector<2048x128xf32>
    %lt3A = arith.constant 5.120000e+02 : f32
    %lt3A_31 = vector.broadcast %lt3A : f32 to vector<2048x128xf32>
    %lt3A_32 = arith.cmpf olt, %round3A, %lt3A_31 : vector<2048x128xf32>
    %and3A_33 = arith.andi %ge3A_30, %lt3A_32 : vector<2048x128xi1>
    %ge3A_34 = arith.constant 0.000000e+00 : f32
    %ge3A_35 = vector.broadcast %ge3A_34 : f32 to vector<2048x128xf32>
    %ge3A_36 = arith.cmpf oge, %round3A_28, %ge3A_35 : vector<2048x128xf32>
    %and3A_37 = arith.andi %and3A_33, %ge3A_36 : vector<2048x128xi1>
    %lt3A_38 = arith.constant 5.120000e+02 : f32
    %lt3A_39 = vector.broadcast %lt3A_38 : f32 to vector<2048x128xf32>
    %lt3A_40 = arith.cmpf olt, %round3A_28, %lt3A_39 : vector<2048x128xf32>
    %and3A_41 = arith.andi %and3A_37, %lt3A_40 : vector<2048x128xi1>
    %convert_element_type3A_42 = arith.fptosi %round3A : vector<2048x128xf32> to vector<2048x128xi32>
    %convert_element_type3A_43 = arith.fptosi %round3A_28 : vector<2048x128xf32> to vector<2048x128xi32>
    %mul3A = arith.constant 512 : i32
    %mul3A_44 = vector.broadcast %mul3A : i32 to vector<2048x128xi32>
    %mul3A_45 = arith.muli %convert_element_type3A_43, %mul3A_44 : vector<2048x128xi32>
    %add3A_46 = arith.addi %convert_element_type3A_42, %mul3A_45 : vector<2048x128xi32>
    %mul3A_47 = arith.constant 512 : i32
    %mul3A_48 = vector.broadcast %mul3A_47 : i32 to vector<2048x128xi32>
    %mul3A_49 = arith.muli %shift_right_arithmetic3A_25, %mul3A_48 : vector<2048x128xi32>
    %add3A_50 = arith.addi %add3A, %mul3A_49 : vector<2048x128xi32>
    %jit3A = arith.constant 0.000000e+00 : f32
    %broadcast_in_dim3A = vector.broadcast %jit3A : f32 to vector<2048x128xf32>
    %select_n3A = arith.select %and3A_41, %reshape3A_18, %broadcast_in_dim3A : vector<2048x128xi1>, vector<2048x128xf32>
    %select_n3A_51 = arith.select %and3A_41, %add3A_46, %add3A_50 : vector<2048x128xi1>, vector<2048x128xi32>
    %swap3A = arith.constant 0 : index
    %swap3A_52 = arith.constant 0 : index
    %swap3A_53 = vector.load %arg3[%swap3A, %swap3A_52] : memref<2048x128xi32, #tpu.memory_space<vmem>>, vector<2048x128xi32>
    tpu.vector_store %arg3[%swap3A, %swap3A_52], %select_n3A_51 {strides = array<i32>} : memref<2048x128xi32, #tpu.memory_space<vmem>>, vector<2048x128xi32>,
    %mul3A_54 = arith.mulf %reshape3A, %select_n3A : vector<2048x128xf32>
    %swap3A_55 = arith.constant 0 : index
    %swap3A_56 = arith.constant 0 : index
    %swap3A_57 = vector.load %arg4[%swap3A_55, %swap3A_56] : memref<2048x128xf32, #tpu.memory_space<vmem>>, vector<2048x128xf32>
    tpu.vector_store %arg4[%swap3A_55, %swap3A_56], %mul3A_54 {strides = array<i32>} : memref<2048x128xf32, #tpu.memory_space<vmem>>, vector<2048x128xf32>,
    %mul3A_58 = arith.mulf %reshape3A_11, %select_n3A : vector<2048x128xf32>
    %swap3A_59 = arith.constant 0 : index
    %swap3A_60 = arith.constant 0 : index
    %swap3A_61 = vector.load %arg5[%swap3A_59, %swap3A_60] : memref<2048x128xf32, #tpu.memory_space<vmem>>, vector<2048x128xf32>
    tpu.vector_store %arg5[%swap3A_59, %swap3A_60], %mul3A_58 {strides = array<i32>} : memref<2048x128xf32, #tpu.memory_space<vmem>>, vector<2048x128xf32>,
    %swap3A_62 = arith.constant 0 : index
    %swap3A_63 = arith.constant 0 : index
    %swap3A_64 = vector.load %arg6[%swap3A_62, %swap3A_63] : memref<2048x128xf32, #tpu.memory_space<vmem>>, vector<2048x128xf32>
    tpu.vector_store %arg6[%swap3A_62, %swap3A_63], %select_n3A {strides = array<i32>} : memref<2048x128xf32, #tpu.memory_space<vmem>>, vector<2048x128xf32>,
    return
  }
  func.func @transform_0(%arg0: i32) -> (i32, i32, i32, i32) {
    %add3A = arith.constant 0 : i32
    %add3A_0 = arith.addi %add3A, %arg0 : i32
    %c0_i32 = arith.constant 0 : i32
    %c0_i32_1 = arith.constant 0 : i32
    %c0_i32_2 = arith.constant 0 : i32
    %c0_i32_3 = arith.constant 0 : i32
    return %add3A_0, %c0_i32, %c0_i32_1, %c0_i32_2 : i32, i32, i32, i32
  }
  func.func @transform_1(%arg0: i32) -> (i32, i32, i32, i32) {
    %add3A = arith.constant 0 : i32
    %add3A_0 = arith.addi %add3A, %arg0 : i32
    %c0_i32 = arith.constant 0 : i32
    %c0_i32_1 = arith.constant 0 : i32
    %c0_i32_2 = arith.constant 0 : i32
    %c0_i32_3 = arith.constant 0 : i32
    return %add3A_0, %c0_i32, %c0_i32_1, %c0_i32_2 : i32, i32, i32, i32
  }
  func.func @transform_2(%arg0: i32) -> (i32, i32) {
    %c0_i32 = arith.constant 0 : i32
    %c0_i32_0 = arith.constant 0 : i32
    return %arg0, %c0_i32 : i32, i32
  }
  func.func @transform_3(%arg0: i32) -> (i32, i32) {
    %c0_i32 = arith.constant 0 : i32
    %c0_i32_0 = arith.constant 0 : i32
    return %arg0, %c0_i32 : i32, i32
  }
  func.func @transform_4(%arg0: i32) -> (i32, i32) {
    %c0_i32 = arith.constant 0 : i32
    %c0_i32_0 = arith.constant 0 : i32
    return %arg0, %c0_i32 : i32, i32
  }
  func.func @transform_5(%arg0: i32) -> (i32, i32) {
    %c0_i32 = arith.constant 0 : i32
    %c0_i32_0 = arith.constant 0 : i32
    return %arg0, %c0_i32 : i32, i32
  }
}

module attributes {stable_mosaic.version = 14 : i64} {
  func.func @_fin_body_first(%arg0: i32, %arg1: memref<2048x128xf32, #tpu.memory_space<vmem>>, %arg2: memref<2048x128xf32, #tpu.memory_space<vmem>>, %arg3: memref<2048x128xf32, #tpu.memory_space<vmem>>, %arg4: memref<1x2x512x512xf32, #tpu.memory_space<vmem>>) attributes {dimension_semantics = [#tpu.dimension_semantics<arbitrary>], iteration_bounds = array<i64: 4>, scalar_prefetch = 0 : i64, scratch_operands = 0 : i64, tpu.core_type = #tpu.core_type<tc>, window_params = [{transform_indices = @transform_0, window_bounds = array<i64: 2048, 128>}, {transform_indices = @transform_1, window_bounds = array<i64: 2048, 128>}, {transform_indices = @transform_2, window_bounds = array<i64: 2048, 128>}, {transform_indices = @transform_3, window_bounds = array<i64: 1, 2, 512, 512>}]} {
    %get3A = arith.constant 0 : index
    %get3A_0 = arith.constant 0 : index
    %get3A_1 = vector.load %arg1[%get3A, %get3A_0] : memref<2048x128xf32, #tpu.memory_space<vmem>>, vector<2048x128xf32>
    %get3A_2 = arith.constant 0 : index
    %get3A_3 = arith.constant 0 : index
    %get3A_4 = vector.load %arg2[%get3A_2, %get3A_3] : memref<2048x128xf32, #tpu.memory_space<vmem>>, vector<2048x128xf32>
    %get3A_5 = arith.constant 0 : index
    %get3A_6 = arith.constant 0 : index
    %get3A_7 = vector.load %arg3[%get3A_5, %get3A_6] : memref<2048x128xf32, #tpu.memory_space<vmem>>, vector<2048x128xf32>
    %ne3A = arith.constant 0.000000e+00 : f32
    %ne3A_8 = vector.broadcast %ne3A : f32 to vector<2048x128xf32>
    %ne3A_9 = arith.cmpf one, %get3A_1, %ne3A_8 : vector<2048x128xf32>
    %add3A = arith.constant 1.000000e-07 : f32
    %add3A_10 = vector.broadcast %add3A : f32 to vector<2048x128xf32>
    %add3A_11 = arith.addf %get3A_7, %add3A_10 : vector<2048x128xf32>
    %div3A = arith.constant 1.000000e+00 : f32
    %div3A_12 = vector.broadcast %div3A : f32 to vector<2048x128xf32>
    %div3A_13 = arith.divf %div3A_12, %add3A_11 : vector<2048x128xf32>
    %jit3A = arith.constant 0.000000e+00 : f32
    %broadcast_in_dim3A = vector.broadcast %jit3A : f32 to vector<2048x128xf32>
    %select_n3A = arith.select %ne3A_9, %div3A_13, %broadcast_in_dim3A : vector<2048x128xi1>, vector<2048x128xf32>
    %mul3A = arith.mulf %get3A_1, %select_n3A : vector<2048x128xf32>
    %reshape3A = vector.shape_cast %mul3A : vector<2048x128xf32> to vector<512x512xf32>
    %swap3A = arith.constant 0 : index
    %swap3A_14 = arith.constant 0 : index
    %swap3A_15 = arith.constant 0 : index
    %swap3A_16 = arith.constant 0 : index
    %swap3A_17 = vector.load %arg4[%swap3A, %swap3A_14, %swap3A_15, %swap3A_16] : memref<1x2x512x512xf32, #tpu.memory_space<vmem>>, vector<1x1x512x512xf32>
    %swap3A_18 = vector.shape_cast %swap3A_17 : vector<1x1x512x512xf32> to vector<512x512xf32>
    %swap3A_19 = vector.shape_cast %reshape3A : vector<512x512xf32> to vector<1x1x512x512xf32>
    tpu.vector_store %arg4[%swap3A, %swap3A_14, %swap3A_15, %swap3A_16], %swap3A_19 {strides = array<i32>} : memref<1x2x512x512xf32, #tpu.memory_space<vmem>>, vector<1x1x512x512xf32>,
    %mul3A_20 = arith.mulf %get3A_4, %select_n3A : vector<2048x128xf32>
    %reshape3A_21 = vector.shape_cast %mul3A_20 : vector<2048x128xf32> to vector<512x512xf32>
    %swap3A_22 = arith.constant 0 : index
    %swap3A_23 = arith.constant 1 : index
    %swap3A_24 = arith.constant 0 : index
    %swap3A_25 = arith.constant 0 : index
    %swap3A_26 = vector.load %arg4[%swap3A_22, %swap3A_23, %swap3A_24, %swap3A_25] : memref<1x2x512x512xf32, #tpu.memory_space<vmem>>, vector<1x1x512x512xf32>
    %swap3A_27 = vector.shape_cast %swap3A_26 : vector<1x1x512x512xf32> to vector<512x512xf32>
    %swap3A_28 = vector.shape_cast %reshape3A_21 : vector<512x512xf32> to vector<1x1x512x512xf32>
    tpu.vector_store %arg4[%swap3A_22, %swap3A_23, %swap3A_24, %swap3A_25], %swap3A_28 {strides = array<i32>} : memref<1x2x512x512xf32, #tpu.memory_space<vmem>>, vector<1x1x512x512xf32>,
    return
  }
  func.func @transform_0(%arg0: i32) -> (i32, i32) {
    %c0_i32 = arith.constant 0 : i32
    %c0_i32_0 = arith.constant 0 : i32
    return %arg0, %c0_i32 : i32, i32
  }
  func.func @transform_1(%arg0: i32) -> (i32, i32) {
    %c0_i32 = arith.constant 0 : i32
    %c0_i32_0 = arith.constant 0 : i32
    return %arg0, %c0_i32 : i32, i32
  }
  func.func @transform_2(%arg0: i32) -> (i32, i32) {
    %c0_i32 = arith.constant 0 : i32
    %c0_i32_0 = arith.constant 0 : i32
    return %arg0, %c0_i32 : i32, i32
  }
  func.func @transform_3(%arg0: i32) -> (i32, i32, i32, i32) {
    %c0_i32 = arith.constant 0 : i32
    %c0_i32_0 = arith.constant 0 : i32
    %c0_i32_1 = arith.constant 0 : i32
    %c0_i32_2 = arith.constant 0 : i32
    return %arg0, %c0_i32, %c0_i32_0, %c0_i32_1 : i32, i32, i32, i32
  }
}

module attributes {stable_mosaic.version = 14 : i64} {
  func.func @_prep_body(%arg0: i32, %arg1: memref<1x2x512x512xf32, #tpu.memory_space<vmem>>, %arg2: memref<1x1x512x512xf32, #tpu.memory_space<vmem>>, %arg3: memref<2048x128xi32, #tpu.memory_space<vmem>>, %arg4: memref<2048x128xf32, #tpu.memory_space<vmem>>, %arg5: memref<2048x128xf32, #tpu.memory_space<vmem>>, %arg6: memref<2048x128xf32, #tpu.memory_space<vmem>>) attributes {dimension_semantics = [#tpu.dimension_semantics<arbitrary>], iteration_bounds = array<i64: 4>, scalar_prefetch = 0 : i64, scratch_operands = 0 : i64, tpu.core_type = #tpu.core_type<tc>, window_params = [{transform_indices = @transform_0, window_bounds = array<i64: 1, 2, 512, 512>}, {transform_indices = @transform_1, window_bounds = array<i64: 1, 1, 512, 512>}, {transform_indices = @transform_2, window_bounds = array<i64: 2048, 128>}, {transform_indices = @transform_3, window_bounds = array<i64: 2048, 128>}, {transform_indices = @transform_4, window_bounds = array<i64: 2048, 128>}, {transform_indices = @transform_5, window_bounds = array<i64: 2048, 128>}]} {
    %get3A = arith.constant 0 : index
    %get3A_0 = arith.constant 0 : index
    %get3A_1 = arith.constant 0 : index
    %get3A_2 = arith.constant 0 : index
    %get3A_3 = vector.load %arg1[%get3A, %get3A_0, %get3A_1, %get3A_2] : memref<1x2x512x512xf32, #tpu.memory_space<vmem>>, vector<1x1x512x512xf32>
    %get3A_4 = vector.shape_cast %get3A_3 : vector<1x1x512x512xf32> to vector<512x512xf32>
    %reshape3A = vector.shape_cast %get3A_4 : vector<512x512xf32> to vector<2048x128xf32>
    %get3A_5 = arith.constant 0 : index
    %get3A_6 = arith.constant 1 : index
    %get3A_7 = arith.constant 0 : index
    %get3A_8 = arith.constant 0 : index
    %get3A_9 = vector.load %arg1[%get3A_5, %get3A_6, %get3A_7, %get3A_8] : memref<1x2x512x512xf32, #tpu.memory_space<vmem>>, vector<1x1x512x512xf32>
    %get3A_10 = vector.shape_cast %get3A_9 : vector<1x1x512x512xf32> to vector<512x512xf32>
    %reshape3A_11 = vector.shape_cast %get3A_10 : vector<512x512xf32> to vector<2048x128xf32>
    %get3A_12 = arith.constant 0 : index
    %get3A_13 = arith.constant 0 : index
    %get3A_14 = arith.constant 0 : index
    %get3A_15 = arith.constant 0 : index
    %get3A_16 = vector.load %arg2[%get3A_12, %get3A_13, %get3A_14, %get3A_15] : memref<1x1x512x512xf32, #tpu.memory_space<vmem>>, vector<1x1x512x512xf32>
    %get3A_17 = vector.shape_cast %get3A_16 : vector<1x1x512x512xf32> to vector<512x512xf32>
    %reshape3A_18 = vector.shape_cast %get3A_17 : vector<512x512xf32> to vector<2048x128xf32>
    %iota3A = tpu.iota {dimensions = array<i32: 0>} : vector<2048x128xi32>
    %iota3A_19 = tpu.iota {dimensions = array<i32: 1>} : vector<2048x128xi32>
    %and3A = arith.constant 3 : i32
    %and3A_20 = vector.broadcast %and3A : i32 to vector<2048x128xi32>
    %and3A_21 = arith.andi %iota3A, %and3A_20 : vector<2048x128xi32>
    %shift_left3A = arith.constant 7 : i32
    %shift_left3A_22 = vector.broadcast %shift_left3A : i32 to vector<2048x128xi32>
    %shift_left3A_23 = arith.shli %and3A_21, %shift_left3A_22 : vector<2048x128xi32>
    %add3A = arith.addi %shift_left3A_23, %iota3A_19 : vector<2048x128xi32>
    %shift_right_arithmetic3A = arith.constant 2 : i32
    %shift_right_arithmetic3A_24 = vector.broadcast %shift_right_arithmetic3A : i32 to vector<2048x128xi32>
    %shift_right_arithmetic3A_25 = arith.shrsi %iota3A, %shift_right_arithmetic3A_24 : vector<2048x128xi32>
    %convert_element_type3A = arith.sitofp %add3A : vector<2048x128xi32> to vector<2048x128xf32>
    %sub3A = arith.subf %convert_element_type3A, %reshape3A : vector<2048x128xf32>
    %round3A = math.roundeven %sub3A : vector<2048x128xf32>
    %convert_element_type3A_26 = arith.sitofp %shift_right_arithmetic3A_25 : vector<2048x128xi32> to vector<2048x128xf32>
    %sub3A_27 = arith.subf %convert_element_type3A_26, %reshape3A_11 : vector<2048x128xf32>
    %round3A_28 = math.roundeven %sub3A_27 : vector<2048x128xf32>
    %ge3A = arith.constant 0.000000e+00 : f32
    %ge3A_29 = vector.broadcast %ge3A : f32 to vector<2048x128xf32>
    %ge3A_30 = arith.cmpf oge, %round3A, %ge3A_29 : vector<2048x128xf32>
    %lt3A = arith.constant 5.120000e+02 : f32
    %lt3A_31 = vector.broadcast %lt3A : f32 to vector<2048x128xf32>
    %lt3A_32 = arith.cmpf olt, %round3A, %lt3A_31 : vector<2048x128xf32>
    %and3A_33 = arith.andi %ge3A_30, %lt3A_32 : vector<2048x128xi1>
    %ge3A_34 = arith.constant 0.000000e+00 : f32
    %ge3A_35 = vector.broadcast %ge3A_34 : f32 to vector<2048x128xf32>
    %ge3A_36 = arith.cmpf oge, %round3A_28, %ge3A_35 : vector<2048x128xf32>
    %and3A_37 = arith.andi %and3A_33, %ge3A_36 : vector<2048x128xi1>
    %lt3A_38 = arith.constant 5.120000e+02 : f32
    %lt3A_39 = vector.broadcast %lt3A_38 : f32 to vector<2048x128xf32>
    %lt3A_40 = arith.cmpf olt, %round3A_28, %lt3A_39 : vector<2048x128xf32>
    %and3A_41 = arith.andi %and3A_37, %lt3A_40 : vector<2048x128xi1>
    %convert_element_type3A_42 = arith.fptosi %round3A : vector<2048x128xf32> to vector<2048x128xi32>
    %convert_element_type3A_43 = arith.fptosi %round3A_28 : vector<2048x128xf32> to vector<2048x128xi32>
    %mul3A = arith.constant 512 : i32
    %mul3A_44 = vector.broadcast %mul3A : i32 to vector<2048x128xi32>
    %mul3A_45 = arith.muli %convert_element_type3A_43, %mul3A_44 : vector<2048x128xi32>
    %add3A_46 = arith.addi %convert_element_type3A_42, %mul3A_45 : vector<2048x128xi32>
    %mul3A_47 = arith.constant 512 : i32
    %mul3A_48 = vector.broadcast %mul3A_47 : i32 to vector<2048x128xi32>
    %mul3A_49 = arith.muli %shift_right_arithmetic3A_25, %mul3A_48 : vector<2048x128xi32>
    %add3A_50 = arith.addi %add3A, %mul3A_49 : vector<2048x128xi32>
    %jit3A = arith.constant 0.000000e+00 : f32
    %broadcast_in_dim3A = vector.broadcast %jit3A : f32 to vector<2048x128xf32>
    %select_n3A = arith.select %and3A_41, %reshape3A_18, %broadcast_in_dim3A : vector<2048x128xi1>, vector<2048x128xf32>
    %select_n3A_51 = arith.select %and3A_41, %add3A_46, %add3A_50 : vector<2048x128xi1>, vector<2048x128xi32>
    %swap3A = arith.constant 0 : index
    %swap3A_52 = arith.constant 0 : index
    %swap3A_53 = vector.load %arg3[%swap3A, %swap3A_52] : memref<2048x128xi32, #tpu.memory_space<vmem>>, vector<2048x128xi32>
    tpu.vector_store %arg3[%swap3A, %swap3A_52], %select_n3A_51 {strides = array<i32>} : memref<2048x128xi32, #tpu.memory_space<vmem>>, vector<2048x128xi32>,
    %mul3A_54 = arith.mulf %reshape3A, %select_n3A : vector<2048x128xf32>
    %swap3A_55 = arith.constant 0 : index
    %swap3A_56 = arith.constant 0 : index
    %swap3A_57 = vector.load %arg4[%swap3A_55, %swap3A_56] : memref<2048x128xf32, #tpu.memory_space<vmem>>, vector<2048x128xf32>
    tpu.vector_store %arg4[%swap3A_55, %swap3A_56], %mul3A_54 {strides = array<i32>} : memref<2048x128xf32, #tpu.memory_space<vmem>>, vector<2048x128xf32>,
    %mul3A_58 = arith.mulf %reshape3A_11, %select_n3A : vector<2048x128xf32>
    %swap3A_59 = arith.constant 0 : index
    %swap3A_60 = arith.constant 0 : index
    %swap3A_61 = vector.load %arg5[%swap3A_59, %swap3A_60] : memref<2048x128xf32, #tpu.memory_space<vmem>>, vector<2048x128xf32>
    tpu.vector_store %arg5[%swap3A_59, %swap3A_60], %mul3A_58 {strides = array<i32>} : memref<2048x128xf32, #tpu.memory_space<vmem>>, vector<2048x128xf32>,
    %swap3A_62 = arith.constant 0 : index
    %swap3A_63 = arith.constant 0 : index
    %swap3A_64 = vector.load %arg6[%swap3A_62, %swap3A_63] : memref<2048x128xf32, #tpu.memory_space<vmem>>, vector<2048x128xf32>
    tpu.vector_store %arg6[%swap3A_62, %swap3A_63], %select_n3A {strides = array<i32>} : memref<2048x128xf32, #tpu.memory_space<vmem>>, vector<2048x128xf32>,
    return
  }
  func.func @transform_0(%arg0: i32) -> (i32, i32, i32, i32) {
    %add3A = arith.constant 4 : i32
    %add3A_0 = arith.addi %add3A, %arg0 : i32
    %c0_i32 = arith.constant 0 : i32
    %c0_i32_1 = arith.constant 0 : i32
    %c0_i32_2 = arith.constant 0 : i32
    %c0_i32_3 = arith.constant 0 : i32
    return %add3A_0, %c0_i32, %c0_i32_1, %c0_i32_2 : i32, i32, i32, i32
  }
  func.func @transform_1(%arg0: i32) -> (i32, i32, i32, i32) {
    %add3A = arith.constant 4 : i32
    %add3A_0 = arith.addi %add3A, %arg0 : i32
    %c0_i32 = arith.constant 0 : i32
    %c0_i32_1 = arith.constant 0 : i32
    %c0_i32_2 = arith.constant 0 : i32
    %c0_i32_3 = arith.constant 0 : i32
    return %add3A_0, %c0_i32, %c0_i32_1, %c0_i32_2 : i32, i32, i32, i32
  }
  func.func @transform_2(%arg0: i32) -> (i32, i32) {
    %c0_i32 = arith.constant 0 : i32
    %c0_i32_0 = arith.constant 0 : i32
    return %arg0, %c0_i32 : i32, i32
  }
  func.func @transform_3(%arg0: i32) -> (i32, i32) {
    %c0_i32 = arith.constant 0 : i32
    %c0_i32_0 = arith.constant 0 : i32
    return %arg0, %c0_i32 : i32, i32
  }
  func.func @transform_4(%arg0: i32) -> (i32, i32) {
    %c0_i32 = arith.constant 0 : i32
    %c0_i32_0 = arith.constant 0 : i32
    return %arg0, %c0_i32 : i32, i32
  }
  func.func @transform_5(%arg0: i32) -> (i32, i32) {
    %c0_i32 = arith.constant 0 : i32
    %c0_i32_0 = arith.constant 0 : i32
    return %arg0, %c0_i32 : i32, i32
  }
}

</mosaic_0001>

<sc_bundles>
// kernel: kernel.11.cloned.1.call-start
scs
__scs_entry_jumppad:
0x0: {  	(pc) =	sbr.rel $0x88, $3  }
0x1: {  	(tag) =	ssettag $0x0;
	lr =	simm.s32 $0x1  }
0x2: {  	[smem:$0x3F9F] =	sst lr;
	_ =	strace $0xD0000000  }
0x3: {  	_ = 	snop  }
0x4: {  	_ = 	snop  }
0x5: {  	_ = 	snop  }
0x6: {  	_ = 	snop  }
0x7: {  	_ = 	snop  }
__scs_overlays_trampoline_lowered:
0x8: {  	[smem:$0x3FAE] =	sst s0  }
0x9: {  	[smem:$0x3FAF] =	sst s1  }
0xa: {  	[smem:$0x3FB0] =	sst s2  }
0xb: {  	[smem:$0x3FB1] =	sst s3  }
0xc: {  	[smem:$0x3FB2] =	sst s4  }
0xd: {  	[smem:$0x3FB3] =	sst s5  }
0xe: {  	[smem:$0x3FB4] =	sst s6  }
0xf: {  	[smem:$0x3FB5] =	sst s7  }
0x10: {  	[smem:$0x3FB6] =	sst s8  }
0x11: {  	[smem:$0x3FB7] =	sst s9;
	s0 =	simm.s32 @!p0 $0x0  }
0x12: {  	s1 =	sld [smem:$0x3F9D];
	s0 =	simm.s32 @p0 $0x1  }
0x13: {  	[smem:$0x3FB8] =	sst s0;
	s0 =	simm.s32 @!p1 $0x0  }
0x14: {  	s2 =	sld [smem:$0x3F9C];
	s0 =	simm.s32 @p1 $0x1  }
0x15: {  	[smem:$0x3FB9] =	sst s0;
	s0 =	simm.s32 @!p2 $0x0  }
0x16: {  	s3 =	sld [smem:$0x3FDB];
	s0 =	simm.s32 @p2 $0x1  }
0x17: {  	s4 =	simm.s32 $0x1BF5;
	[smem:$0x3FBB] =	sst s0  }
0x18: {  	s0 =	sld [smem:$0x3F9E];
	_ =	swait.ge [sflag:s4], $0x0  }
0x19: {  	s7 =	sld [smem:$0x3F9F]  }
0x1a: {  	s8 =	sadd.s32 $0xFFFFE003, lr  }
0x1b: {  	s9 =	sadd.s32 $0xFFFFFEF7, lr;
	s5 =	simm.s32 $0xFFFFFFFF;
	p2 =	slt.u32 s8, $0xFFFFF086  }
0x1c: {  	p1 =	slt.u32 s9, $0xF7A;
	s5 =	simm.s32 @!p2 $0x0  }
0x1d: {  	s5 =	simm.s32 @p1 $0x1;
	p0 =	seq.s32 s7, s2  }
0x1e: {  	s7 =	smul.u32 @!p0 $0xF7A, s2;
	p2 =	seq.s32 @!p0 s5, $0x0  }
0x1f: {  	s9 =	smul.u32 $0xF7A, s1;
	s8 =	simm.s32 @!p0 $0x1BF5;
	p2 =	por !p2, p0  }
0x20: {  	[sflag:s8] =	ssyncset.s32 @!p0 $0xFFFFF086;
	s6 =	sadd.s32 @!p0 s3, s7;
	s7 =	simm.s32 @!p0 $0x108  }
0x21: {  	s3 =	sadd.s32 s3, s9;
	s6 =	sadd.s32 @!p0 $0x88, s6;
	s7 =	simm.s32 @p2 $0x1082  }
0x22: {  	[simem:s7], [sflag:s8] =	dma.local @!p0 [hbm:s6], $0xF7A  }
0x23: {  	s9 =	sor.u32 $0xD0000000, s2;
	s6 =	simm.s32 $0x108;
	_ =	swait.ge @!p0 [sflag:s8], $0x0  }
0x24: {  	s3 =	sadd.s32 $0x88, s3;
	s6 =	simm.s32 @!p1 $0x1082;
	[sflag:s4] =	ssyncset.s32 $0xFFFFF086  }
0x25: {  	[simem:s6], [sflag:s4] =	dma.local [hbm:s3], $0xF7A  }
0x26: {  	[smem:$0x3F9F] =	sst s1;
	(tag) =	ssettag s2;
	_ =	strace s9  }
0x27: {  	s1 =	sld [smem:$0x3FAF]  }
0x28: {  	s2 =	sld [smem:$0x3FB0]  }
0x29: {  	s4 =	sld [smem:$0x3FB2]  }
0x2a: {  	p0 =	seq.s32 s5, $0x0;
	s5 =	sld [smem:$0x3FB3]  }
0x2b: {  	s6 =	sld [smem:$0x3FB4]  }
0x2c: {  	s7 =	sld [smem:$0x3FB5]  }
0x2d: {  	s3 =	simm.s32 $0x108;
	s8 =	sld [smem:$0x3FB6]  }
0x2e: {  	s3 =	simm.s32 @!p0 $0x1082;
	s9 =	sld [smem:$0x3FB7]  }
0x2f: {  	lr =	sadd.s32 s0, s3;
	s0 =	sld [smem:$0x3FAE]  }
0x30: {  	s3 =	sld [smem:$0x3FB1]  }
0x31: {  	[smem:$0x3FBA] =	sst s10  }
0x32: {  	s10 =	sld [smem:$0x3FB8];
	_ =	sdelay $0x3  }
0x33: {  	p0 =	seq.s32 s10, $0x1;
	s10 =	sld [smem:$0x3FBA];
	_ =	sdelay $0x3  }
0x34: {  	[smem:$0x3FBA] =	sst s10  }
0x35: {  	s10 =	sld [smem:$0x3FB9];
	_ =	sdelay $0x3  }
0x36: {  	p1 =	seq.s32 s10, $0x1;
	s10 =	sld [smem:$0x3FBA];
	_ =	sdelay $0x3  }
0x37: {  	[smem:$0x3FBA] =	sst s10  }
0x38: {  	s10 =	sld [smem:$0x3FBB]  }
0x39: {  	_ = 	snop;
	(pc) =	sbr.ind lr, $3  }
0x3a: {  	_ = 	snop  }
0x3b: {  	_ = 	snop  }
0x3c: {  	p2 =	seq.s32 s10, $0x1;
	s10 =	sld [smem:$0x3FBA]  }
0x3d: {  	_ =	shalt  }
0x3e: {  	_ =	shalt  }
0x3f: {  	_ =	shalt  }
0x40: {  	_ =	shalt  }
0x41: {  	_ =	shalt  }
0x42: {  	_ =	shalt  }
0x43: {  	_ =	shalt  }
0x44: {  	_ =	shalt  }
0x45: {  	_ =	shalt  }
0x46: {  	_ =	shalt  }
0x47: {  	_ =	shalt  }
0x48: {  	_ =	shalt  }
0x49: {  	_ =	shalt  }
0x4a: {  	_ =	shalt  }
0x4b: {  	_ =	shalt  }
0x4c: {  	_ =	shalt  }
0x4d: {  	_ =	shalt  }
0x4e: {  	_ =	shalt  }
0x4f: {  	_ =	shalt  }
0x50: {  	_ =	shalt  }
0x51: {  	_ =	shalt  }
0x52: {  	_ =	shalt  }
0x53: {  	_ =	shalt  }
0x54: {  	_ =	shalt  }
0x55: {  	_ =	shalt  }
0x56: {  	_ =	shalt  }
0x57: {  	_ =	shalt  }
0x58: {  	_ =	shalt  }
0x59: {  	_ =	shalt  }
0x5a: {  	_ =	shalt  }
0x5b: {  	_ =	shalt  }
0x5c: {  	_ =	shalt  }
0x5d: {  	_ =	shalt  }
0x5e: {  	_ =	shalt  }
0x5f: {  	_ =	shalt  }
0x60: {  	_ =	shalt  }
0x61: {  	_ =	shalt  }
0x62: {  	_ =	shalt  }
0x63: {  	_ =	shalt  }
0x64: {  	_ =	shalt  }
0x65: {  	_ =	shalt  }
0x66: {  	_ =	shalt  }
0x67: {  	_ =	shalt  }
0x68: {  	_ =	shalt  }
0x69: {  	_ =	shalt  }
0x6a: {  	_ =	shalt  }
0x6b: {  	_ =	shalt  }
0x6c: {  	_ =	shalt  }
0x6d: {  	_ =	shalt  }
0x6e: {  	_ =	shalt  }
0x6f: {  	_ =	shalt  }
0x70: {  	_ =	shalt  }
0x71: {  	_ =	shalt  }
0x72: {  	_ =	shalt  }
0x73: {  	_ =	shalt  }
0x74: {  	_ =	shalt  }
0x75: {  	_ =	shalt  }
0x76: {  	_ =	shalt  }
0x77: {  	_ =	shalt  }
0x78: {  	_ =	shalt  }
0x79: {  	_ =	shalt  }
0x7a: {  	_ =	shalt  }
0x7b: {  	_ =	shalt  }
0x7c: {  	_ =	shalt  }
0x7d: {  	_ =	shalt  }
0x7e: {  	_ =	shalt  }
0x7f: {  	_ =	shalt  }
0x80: {  	_ =	shalt  }
0x81: {  	_ =	shalt  }
0x82: {  	_ =	shalt  }
0x83: {  	_ =	shalt  }
0x84: {  	_ =	shalt  }
0x85: {  	_ =	shalt  }
0x86: {  	_ =	shalt  }
0x87: {  	_ =	shalt  }
.Lfunc_end0:
.L_simem_size_0:
called_computation.1_lowered:
.L_overlay_start_0:
0x88: {  	s2 =	sld [smem:$0x3FD9]  }
0x89: {  	s3 =	sld [smem:$0x3FFE];
	_ =	sdelay $0x1  }
0x8a: {  	s1 =	srdreg.scid  }
0x8b: {  	s0 =	sand.u32 $0x1, s1  }
0x8c: {  	s17 =	sshll.u32 s0, $0xA;
	s2 =	sadd.s32 s3, s2  }
0x8d: {  	s2 =	sadd.s32 s2, s17  }
0x8e: {  	[smem:$0x3FC6] =	sst s2  }
0x8f: {  	_ = 	snop  }
0x90: {  	(tm) =	ssettm $0x1  }
0x91: {  	s18 =	sld [smem:$0x3FFB];
	_ =	sdelay $0x3  }
0x92: {  	_ =	strace s18  }
0x93: {  	s2 =	sld [smem:$0x3FFC];
	_ =	sdelay $0x3  }
0x94: {  	_ =	strace s2  }
0x95: {  	s2 =	sld [smem:$0x3FFD];
	_ =	sdelay $0x3  }
0x96: {  	_ =	strace s2  }
0x97: {  	_ =	strace $0x8FFFFFFF  }
0x98: {  	s19 =	sld [smem:$0x3FDB];
	_ =	sdelay $0x1  }
0x99: {  	s20 =	simm.s32 $_scs_section_size  }
0x9a: {  	s4 =	simm.s32 $_size__tile_overlayer_lowered;
	s5 =	simm.s32 $_tile_overlayer_lowered  }
0x9b: {  	s6 =	simm.s32 $0x1BFF;
	s21 =	sshll.u32 s5, $0x1;
	s3 =	sadd.s32 s20, s19  }
0x9c: {  	s22 =	simm.s32 $0x0;
	s4 =	sshll.u32 s4, $0x1;
	s5 =	sadd.s32 s21, s3  }
0x9d: {  	[timem:s22], [sflag:s6] =	dma.local [hbm:s5], s4  }
0x9e: {  	_ =	swait.ge [sflag:s6], s4  }
0x9f: {  	s4 =	ssub.s32 $0x0, s4;
	[sflag:s6] =	ssyncset.done $0x0  }
0xa0: {  	[sflag:s6] =	ssyncadd.s32 s4;
	_ =	sdelay $0x1  }
0xa1: {  	s23 =	simm.s32 $0x1B8B  }
0xa2: {  	_ =	swait.ge [sflag:s23], $0x1  }
0xa3: {  	[sflag:s23] =	ssyncset.done $0x0  }
0xa4: {  	[sflag:s23] =	ssyncadd.s32 $0xFFFFFFFF  }
0xa5: {  	s4 =	sld [smem:$0x0]  }
0xa6: {  	s5 =	sand.u32 $0xFFFFFFFE, s1  }
0xa7: {  	p0 =	sne.s32 s1, s5  }
0xa8: {  	s5 =	sshll.u32 @p0 s5, $0xE  }
0xa9: {  	s5 =	sadd.s32 @p0 $0x11B8D, s5;
	s6 =	sshll.u32 @p0 s4, $0x11  }
0xaa: {  	s5 =	sor.u32 @p0 s6, s5  }
0xab: {  	[sflag:s5] =	ssyncadd.remote.s32 @p0 $0x1;
	_ =	sdelay $0x1  }
0xac: {  	s5 =	simm.s32 @p0 $0x1B8D  }
0xad: {  	_ =	swait.eq @p0 [sflag:s5], $0x1  }
0xae: {  	[sflag:s5] =	ssyncadd.s32 @p0 $0xFFFFFFFF  }
0xaf: {  	s6 =	sshll.u32 @!p0 s1, $0xE  }
0xb0: {  	s6 =	sor.u32 @!p0 $0x4000, s6;
	s5 =	simm.s32 @!p0 $0x1B8D  }
0xb1: {  	s4 =	sshll.u32 @!p0 s4, $0x11;
	s6 =	sadd.s32 @!p0 $0x11B8D, s6;
	_ =	swait.eq @!p0 [sflag:s5], $0x1  }
0xb2: {  	s4 =	sor.u32 @!p0 s4, s6;
	[sflag:s5] =	ssyncadd.s32 @!p0 $0xFFFFFFFF  }
0xb3: {  	s25 =	simm.s32 $0x1B8E;
	s24 =	sld [smem:$0x3FFE];
	[sflag:s4] =	ssyncadd.remote.s32 @!p0 $0x1  }
0xb4: {  	s26 =	simm.s32 $execute0_lowered;
	[smem:$0x3FD2] =	sst s25  }
0xb5: {  	s5 =	sshll.u32 s26, $0x1;
	_ =	strace $0x80000049;
	[dreg:$0x1] =	wrdreg $0xFFFFFFFF  }
0xb6: {  	s28 =	simm.s32 $_size_execute0_lowered;
	s3 =	sadd.s32 s3, s5;
	[dreg:$0x0] =	wrdreg $0x0  }
0xb7: {  	s5 =	sshll.u32 s28, $0x1;
	[dreg:$0x2] =	wrdreg s3  }
0xb8: {  	[dreg:$0x3] =	wrdreg s5  }
0xb9: {  	[dreg:$0x4] =	wrdreg $0xC0  }
0xba: {  	_ =	task [dreg:s22], $0x5FFFF  }
0xbb: {  	[dreg:$0x1] =	wrdreg $0xFFFFFFFF  }
0xbc: {  	[dreg:$0x0] =	wrdreg $0x60  }
0xbd: {  	[dreg:$0x2] =	wrdreg s24  }
0xbe: {  	[dreg:$0x3] =	wrdreg $0x120000  }
0xbf: {  	[dreg:$0x4] =	wrdreg $0x160000  }
0xc0: {  	[dreg:$0x5] =	wrdreg $0x1A0000  }
0xc1: {  	[dreg:$0x6] =	wrdreg $0xA  }
0xc2: {  	_ =	task.clear_ibuf [dreg:s22], $0x7FFFF;
	_ =	strace $0x90000049  }
0xc3: {  	s29 =	simm.s32 $0xA;
	_ =	strace $0x8000004B  }
0xc4: {  	_ =	swait.ge [sflag:s29], $0x1  }
0xc5: {  	[sflag:s29] =	ssyncadd.s32 $0xFFFFFFFF  }
0xc6: {  	_ =	strace $0x9000004B  }
0xc7: {  	_ =	sfence  }
0xc8: {  	s30 =	sld [smem:$0x0];
	_ =	sdelay $0x2  }
0xc9: {  	s31 =	sshll.u32 s1, $0xD;
	s1 =	sshrl.u32 s1, $0x2  }
0xca: {  	s4 =	sand.u32 $0x4000, s31;
	s1 =	sadd.s32 s1, s30  }
0xcb: {  	s0 =	sor.u32 s4, s0;
	s1 =	sshll.u32 s1, $0x11  }
0xcc: {  	s0 =	sor.u32 s1, s0  }
0xcd: {  	s0 =	sadd.s32 $0x8F2B, s0  }
0xce: {  	[sflag:s0] =	ssyncadd.remote.s32 $0x1  }
0xcf: {  	_ =	sfence.sel $0xFFFF  }
0xd0: {  	[dreg:$0x0] =	wrdreg $0xFFFFFFFF;
	(pc) =	sbr.abs _section_cstart, $3  }
0xd1: {  	[dreg:$0x1] =	wrdreg $0xFFFFFFFF  }
0xd2: {  	_ =	task.clear_ibuf [dreg:s22], $0x2FFFF;
	_ =	strace $0x9FFFFFFF  }
0xd3: {  	(tm) =	ssettm $0x7FFFFFFF  }
tec
execute0_lowered:
.L_overlay_start_1:
0x0: {  	(tag) =	ssettag $0x1  }
0x1: {  	s0 =	rddreg [dreg:$0x0]  }
0x2: {  	s11 =	rddreg [dreg:$0x1]  }
0x3: {  	s24 =	rddreg [dreg:$0x2]  }
0x4: {  	s12 =	rddreg [dreg:$0x3];
	s4 =	simm.s32 $0x0  }
0x5: {  	s6 =	srdreg.scid;
	s13 =	stileid.u32;
	s28 =	simm.s32 $0x10000  }
0x6: {  	s29 =	simm.s32 $0x2;
	s30 =	simm.s32 $0x4000;
	s31 =	simm.s32 $0x8000  }
0x7: {  	[smem:$0x7FF] =	sst s4;
	s1 =	sadd.s32 $0xC3000, s0;
	s2 =	sadd.s32 $0xE3000, s0  }
0x8: {  	s3 =	sadd.s32 $0x103000, s0;
	s5 =	sadd.s32 $0x123000, s0;
	s6 =	sand.u32 $0x1, s6  }
0x9: {  	s23 =	sshll.u32 s13, $0xE;
	s7 =	ssub.s32 $0x2, s6;
	s6 =	sshll.u32 s6, $0x13  }
0xa: {  	s8 =	sadd.s32 $0x143000, s0;
	s9 =	sadd.s32 $0x163000, s0;
	s18 =	sor.u32 s23, s6  }
0xb: {  	s0 =	sadd.s32 $0x183000, s0;
	s10 =	sshrl.u32 s7, $0x1;
	s14 =	sshrl.u32 s18, $0x3  }
0xc: {  	_ =	strace $0x8000004A;
	s26 =	ssub.s32 s7, s10;
	s10 =	sadd.s32 s1, s14  }
0xd: {  	s25 =	sor.u32 $0x2000, s23;
	s19 =	sadd.s32 s2, s14;
	[dreg:$0x5] =	wrdreg s10  }
0xe: {  	s6 =	sadd.s32 s23, s11;
	s20 =	sadd.s32 s3, s14;
	[dreg:$0x6] =	wrdreg s19  }
0xf: {  	s7 =	sadd.s32 s25, s11;
	s21 =	sadd.s32 s5, s14;
	[dreg:$0x7] =	wrdreg s20  }
0x10: {  	s22 =	sadd.s32 s8, s14;
	s13 =	sadd.s32 s9, s14;
	[dreg:$0x8] =	wrdreg s21  }
0x11: {  	s26 =	smax.u32 s26, $0x1;
	[dreg:$0x9] =	wrdreg s22;
	s21 =	sor.u32 $0x8000, s14  }
0x12: {  	s14 =	sadd.s32 s0, s14;
	s22 =	sadd.s32 s23, s24;
	s23 =	sadd.s32 s23, s12  }
0x13: {  	s24 =	sadd.s32 s25, s24;
	s25 =	sadd.s32 s25, s12;
	s15 =	sadd.s32 s1, s21  }
0x14: {  	s16 =	sadd.s32 s2, s21;
	s17 =	sadd.s32 s3, s21;
	s18 =	sadd.s32 s5, s21  }
0x15: {  	s19 =	sadd.s32 s8, s21;
	s20 =	sadd.s32 s9, s21;
	s21 =	sadd.s32 s0, s21  }
0x16: {  	v0 =	vimm.f32 $0.0e+00;
	s0 =	simm.s32 $0xC000;
	s5 =	simm.s32 $0x1;
	s1 =	simm.s32 $0x0  }
.LBB2_1:
0x17: {  	s2 =	simm.s32 $0x10020  }
0x18: {  	[tilespmem:s2+$0xFFFFFFE0] =	vst v0  }
0x19: {  	[tilespmem:s2+$0x10] =	vst v0  }
0x1a: {  	s3 =	simm.s32 $0x0;
	[tilespmem:s2+$0x0] =	vst v0  }
.LBB2_2:
0x1b: {  	s3 =	sadd.s32 $0x4, s3  }
0x1c: {  	[tilespmem:s2+$0xFFFFFFF0] =	vst v0;
	s2 =	sadd.s32 $0x40, s2;
	p0 =	slt.u32 s3, $0x1FC  }
.Ltmp0:
0x1d: {  	[tilespmem:s2+$0xFFFFFFE0] =	vst v0;
	(pc) =	sbr.rel @p0 .LBB2_2-.Ltmp0, $3  }
0x1e: {  	_ =	sdelay $0x1  }
0x1f: {  	[tilespmem:s2+$0x10] =	vst v0  }
0x20: {  	[tilespmem:s2+$0x0] =	vst v0  }
0x21: {  	[tilespmem:s2+$0xFFFFFFF0] =	vst v0  }
0x22: {  	[spmem:s6] =	stream.linear.scatter [tilespmem:s28], [sflag:$0x2], $0x2000, $0x38;
	[tilespmem:$0x1E000] =	vst v63  }
0x23: {  	_ =	swait.ge [sflag:s29], $0x2000  }
0x24: {  	[sflag:s29] =	ssyncset.done $0x0  }
0x25: {  	[sflag:s29] =	ssyncadd.s32 $0xFFFFE000  }
0x26: {  	[spmem:s7] =	stream.linear.scatter [tilespmem:s28], [sflag:$0x2], $0x2000, $0x38;
	[tilespmem:$0x1E000] =	vst v63  }
0x27: {  	_ =	swait.ge [sflag:s29], $0x2000  }
0x28: {  	[sflag:s29] =	ssyncset.done $0x0  }
0x29: {  	[sflag:s29] =	ssyncadd.s32 $0xFFFFE000  }
0x2a: {  	[spmem:s22] =	stream.linear.scatter [tilespmem:s28], [sflag:$0x2], $0x2000, $0x38;
	[tilespmem:$0x1E000] =	vst v63  }
0x2b: {  	_ =	swait.ge [sflag:s29], $0x2000  }
0x2c: {  	[sflag:s29] =	ssyncset.done $0x0  }
0x2d: {  	[sflag:s29] =	ssyncadd.s32 $0xFFFFE000  }
0x2e: {  	[spmem:s24] =	stream.linear.scatter [tilespmem:s28], [sflag:$0x2], $0x2000, $0x38;
	[tilespmem:$0x1E000] =	vst v63  }
0x2f: {  	_ =	swait.ge [sflag:s29], $0x2000  }
0x30: {  	[sflag:s29] =	ssyncset.done $0x0  }
0x31: {  	[sflag:s29] =	ssyncadd.s32 $0xFFFFE000  }
0x32: {  	[spmem:s23] =	stream.linear.scatter [tilespmem:s28], [sflag:$0x2], $0x2000, $0x38;
	[tilespmem:$0x1E000] =	vst v63  }
0x33: {  	_ =	swait.ge [sflag:s29], $0x2000  }
0x34: {  	[sflag:s29] =	ssyncset.done $0x0  }
0x35: {  	[sflag:s29] =	ssyncadd.s32 $0xFFFFE000  }
0x36: {  	[spmem:s25] =	stream.linear.scatter [tilespmem:s28], [sflag:$0x2], $0x2000, $0x38;
	[tilespmem:$0x1E000] =	vst v63  }
0x37: {  	_ =	swait.ge [sflag:s29], $0x2000  }
0x38: {  	[sflag:s29] =	ssyncset.done $0x0  }
0x39: {  	s11 =	rddreg [dreg:$0x5];
	[sflag:s29] =	ssyncadd.s32 $0xFFFFE000  }
0x3a: {  	[tilespmem:s4], [sflag:$0x2] =	stream.linear.gather [hbm4b:s11+s4], $0x4000, $0x38;
	[tilespmem:$0x1E000] =	vst v63  }
0x3b: {  	_ =	swait.ge [sflag:s29], $0x4000  }
0x3c: {  	[sflag:s29] =	ssyncset.done $0x0  }
0x3d: {  	s12 =	rddreg [dreg:$0x6];
	[sflag:s29] =	ssyncadd.s32 $0xFFFFC000  }
0x3e: {  	[tilespmem:s30], [sflag:$0x2] =	stream.linear.gather [hbm4b:s12+s4], $0x4000, $0x38;
	[tilespmem:$0x1E000] =	vst v63  }
0x3f: {  	_ =	swait.ge [sflag:s29], $0x4000  }
0x40: {  	[sflag:s29] =	ssyncset.done $0x0  }
0x41: {  	s3 =	rddreg [dreg:$0x7];
	[sflag:s29] =	ssyncadd.s32 $0xFFFFC000  }
0x42: {  	[tilespmem:s31], [sflag:$0x2] =	stream.linear.gather [hbm4b:s3+s4], $0x4000, $0x38;
	[tilespmem:$0x1E000] =	vst v63  }
0x43: {  	_ =	swait.ge [sflag:s29], $0x4000  }
0x44: {  	[sflag:s29] =	ssyncset.done $0x0  }
0x45: {  	s8 =	rddreg [dreg:$0x8];
	[sflag:s29] =	ssyncadd.s32 $0xFFFFC000  }
0x46: {  	[tilespmem:s0], [sflag:$0x2] =	stream.linear.gather [hbm4b:s8+s4], $0x4000, $0x38;
	[tilespmem:$0x1E000] =	vst v63  }
0x47: {  	_ =	swait.ge [sflag:s29], $0x4000  }
0x48: {  	[sflag:s29] =	ssyncset.done $0x0  }
0x49: {  	[sflag:s29] =	ssyncadd.s32 $0xFFFFC000  }
0x4a: {  	[bflag:$0x0] =	sbarrier.arrive $0xFFFF  }
0x4b: {  	s10 =	rddreg [dreg:$0x1]  }
0x4c: {  	[spmem:s10] =	stream.indirect.scatter.add.f32 [tilespmem:s30], [sflag:$0x1], $0x1, s4, s30, $0xb8;
	[tilespmem:$0x1E000] =	vst v63  }
0x4d: {  	s11 =	rddreg [dreg:$0x2]  }
0x4e: {  	[spmem:s11] =	stream.indirect.scatter.add.f32 [tilespmem:s31], [sflag:$0x1], $0x1, s4, s30, $0xb8;
	[tilespmem:$0x1E000] =	vst v63  }
0x4f: {  	s12 =	rddreg [dreg:$0x3]  }
0x50: {  	[spmem:s12] =	stream.indirect.scatter.add.f32 [tilespmem:s0], [sflag:$0x1], $0x1, s4, s30, $0xb8;
	[tilespmem:$0x1E000] =	vst v63  }
0x51: {  	_ =	swait.ge [sflag:s5], $0x4000  }
0x52: {  	[sflag:s5] =	ssyncset.done $0x0  }
0x53: {  	[sflag:s5] =	ssyncadd.s32 $0xFFFFC000  }
0x54: {  	_ =	swait.ge [sflag:s5], $0x4000  }
0x55: {  	[sflag:s5] =	ssyncset.done $0x0  }
0x56: {  	[sflag:s5] =	ssyncadd.s32 $0xFFFFC000  }
0x57: {  	_ =	swait.ge [sflag:s5], $0x4000  }
0x58: {  	[sflag:s5] =	ssyncset.done $0x0  }
0x59: {  	s9 =	stileid.u32;
	[sflag:s5] =	ssyncadd.s32 $0xFFFFC000  }
0x5a: {  	s2 =	sshll.u32 s9, $0x6;
	[bflag:$0x0] =	sbarrier.arrive $0xFFFF  }
0x5b: {  	s2 =	sor.u32 $0x1C02, s2;
	s3 =	sshrl.u32 s6, $0x3;
	s8 =	rddreg [dreg:$0x9]  }
0x5c: {  	[hbm:s8], [sflag:s2] =	dma.local [spmem:s3], $0x800  }
0x5d: {  	_ =	swait.ge [sflag:s29], $0x800  }
0x5e: {  	[sflag:s29] =	ssyncset.done $0x0  }
0x5f: {  	s8 =	sshrl.u32 s22, $0x3;
	[sflag:s29] =	ssyncadd.s32 $0xFFFFF800  }
0x60: {  	[hbm:s13], [sflag:s2] =	dma.local [spmem:s8], $0x800  }
0x61: {  	_ =	swait.ge [sflag:s29], $0x800  }
0x62: {  	[sflag:s29] =	ssyncset.done $0x0  }
0x63: {  	s9 =	sshrl.u32 s23, $0x3;
	[sflag:s29] =	ssyncadd.s32 $0xFFFFF800  }
0x64: {  	[hbm:s14], [sflag:s2] =	dma.local [spmem:s9], $0x800  }
0x65: {  	_ =	swait.ge [sflag:s29], $0x800  }
0x66: {  	[sflag:s29] =	ssyncset.done $0x0  }
0x67: {  	[sflag:s29] =	ssyncadd.s32 $0xFFFFF800  }
0x68: {  	[spmem:s6] =	stream.linear.scatter [tilespmem:s28], [sflag:$0x2], $0x2000, $0x38;
	[tilespmem:$0x1E000] =	vst v63  }
0x69: {  	_ =	swait.ge [sflag:s29], $0x2000  }
0x6a: {  	[sflag:s29] =	ssyncset.done $0x0  }
0x6b: {  	[sflag:s29] =	ssyncadd.s32 $0xFFFFE000  }
0x6c: {  	[spmem:s7] =	stream.linear.scatter [tilespmem:s28], [sflag:$0x2], $0x2000, $0x38;
	[tilespmem:$0x1E000] =	vst v63  }
0x6d: {  	_ =	swait.ge [sflag:s29], $0x2000  }
0x6e: {  	[sflag:s29] =	ssyncset.done $0x0  }
0x6f: {  	[sflag:s29] =	ssyncadd.s32 $0xFFFFE000  }
0x70: {  	[spmem:s22] =	stream.linear.scatter [tilespmem:s28], [sflag:$0x2], $0x2000, $0x38;
	[tilespmem:$0x1E000] =	vst v63  }
0x71: {  	_ =	swait.ge [sflag:s29], $0x2000  }
0x72: {  	[sflag:s29] =	ssyncset.done $0x0  }
0x73: {  	[sflag:s29] =	ssyncadd.s32 $0xFFFFE000  }
0x74: {  	[spmem:s24] =	stream.linear.scatter [tilespmem:s28], [sflag:$0x2], $0x2000, $0x38;
	[tilespmem:$0x1E000] =	vst v63  }
0x75: {  	_ =	swait.ge [sflag:s29], $0x2000  }
0x76: {  	[sflag:s29] =	ssyncset.done $0x0  }
0x77: {  	[sflag:s29] =	ssyncadd.s32 $0xFFFFE000  }
0x78: {  	[spmem:s23] =	stream.linear.scatter [tilespmem:s28], [sflag:$0x2], $0x2000, $0x38;
	[tilespmem:$0x1E000] =	vst v63  }
0x79: {  	_ =	swait.ge [sflag:s29], $0x2000  }
0x7a: {  	[sflag:s29] =	ssyncset.done $0x0  }
0x7b: {  	[sflag:s29] =	ssyncadd.s32 $0xFFFFE000  }
0x7c: {  	[spmem:s25] =	stream.linear.scatter [tilespmem:s28], [sflag:$0x2], $0x2000, $0x38;
	[tilespmem:$0x1E000] =	vst v63  }
0x7d: {  	_ =	swait.ge [sflag:s29], $0x2000  }
0x7e: {  	[sflag:s29] =	ssyncset.done $0x0  }
0x7f: {  	[sflag:s29] =	ssyncadd.s32 $0xFFFFE000  }
0x80: {  	[tilespmem:s4], [sflag:$0x2] =	stream.linear.gather [hbm4b:s15+s4], $0x4000, $0x38;
	[tilespmem:$0x1E000] =	vst v63  }
0x81: {  	_ =	swait.ge [sflag:s29], $0x4000  }
0x82: {  	[sflag:s29] =	ssyncset.done $0x0  }
0x83: {  	[sflag:s29] =	ssyncadd.s32 $0xFFFFC000  }
0x84: {  	[tilespmem:s30], [sflag:$0x2] =	stream.linear.gather [hbm4b:s16+s4], $0x4000, $0x38;
	[tilespmem:$0x1E000] =	vst v63  }
0x85: {  	_ =	swait.ge [sflag:s29], $0x4000  }
0x86: {  	[sflag:s29] =	ssyncset.done $0x0  }
0x87: {  	[sflag:s29] =	ssyncadd.s32 $0xFFFFC000  }
0x88: {  	[tilespmem:s31], [sflag:$0x2] =	stream.linear.gather [hbm4b:s17+s4], $0x4000, $0x38;
	[tilespmem:$0x1E000] =	vst v63  }
0x89: {  	_ =	swait.ge [sflag:s29], $0x4000  }
0x8a: {  	[sflag:s29] =	ssyncset.done $0x0  }
0x8b: {  	[sflag:s29] =	ssyncadd.s32 $0xFFFFC000  }
0x8c: {  	[tilespmem:s0], [sflag:$0x2] =	stream.linear.gather [hbm4b:s18+s4], $0x4000, $0x38;
	[tilespmem:$0x1E000] =	vst v63  }
0x8d: {  	_ =	swait.ge [sflag:s29], $0x4000  }
0x8e: {  	[sflag:s29] =	ssyncset.done $0x0  }
0x8f: {  	[sflag:s29] =	ssyncadd.s32 $0xFFFFC000  }
0x90: {  	[bflag:$0x0] =	sbarrier.arrive $0xFFFF  }
0x91: {  	[spmem:s10] =	stream.indirect.scatter.add.f32 [tilespmem:s30], [sflag:$0x1], $0x1, s4, s30, $0xb8;
	[tilespmem:$0x1E000] =	vst v63  }
0x92: {  	_ = 	snop  }
0x93: {  	[spmem:s11] =	stream.indirect.scatter.add.f32 [tilespmem:s31], [sflag:$0x1], $0x1, s4, s30, $0xb8;
	[tilespmem:$0x1E000] =	vst v63  }
0x94: {  	_ = 	snop  }
0x95: {  	[spmem:s12] =	stream.indirect.scatter.add.f32 [tilespmem:s0], [sflag:$0x1], $0x1, s4, s30, $0xb8;
	[tilespmem:$0x1E000] =	vst v63  }
0x96: {  	_ =	swait.ge [sflag:s5], $0x4000  }
0x97: {  	[sflag:s5] =	ssyncset.done $0x0  }
0x98: {  	[sflag:s5] =	ssyncadd.s32 $0xFFFFC000  }
0x99: {  	_ =	swait.ge [sflag:s5], $0x4000  }
0x9a: {  	[sflag:s5] =	ssyncset.done $0x0  }
0x9b: {  	[sflag:s5] =	ssyncadd.s32 $0xFFFFC000  }
0x9c: {  	_ =	swait.ge [sflag:s5], $0x4000  }
0x9d: {  	[sflag:s5] =	ssyncset.done $0x0  }
0x9e: {  	[sflag:s5] =	ssyncadd.s32 $0xFFFFC000  }
0x9f: {  	[bflag:$0x0] =	sbarrier.arrive $0xFFFF  }
0xa0: {  	[hbm:s19], [sflag:s2] =	dma.local [spmem:s3], $0x800  }
0xa1: {  	_ =	swait.ge [sflag:s29], $0x800  }
0xa2: {  	[sflag:s29] =	ssyncset.done $0x0  }
0xa3: {  	[sflag:s29] =	ssyncadd.s32 $0xFFFFF800  }
0xa4: {  	[hbm:s20], [sflag:s2] =	dma.local [spmem:s8], $0x800  }
0xa5: {  	s1 =	sadd.s32 $0x1, s1;
	_ =	swait.ge [sflag:s29], $0x800  }
0xa6: {  	p0 =	sne.s32 s1, s26;
	[sflag:s29] =	ssyncset.done $0x0  }
.Ltmp1:
0xa7: {  	[sflag:s29] =	ssyncadd.s32 $0xFFFFF800;
	(pc) =	sbr.rel @p0 .LBB2_1-.Ltmp1, $4  }
0xa8: {  	[hbm:s21], [sflag:s2] =	dma.local [spmem:s9], $0x800  }
0xa9: {  	_ =	swait.ge [sflag:s29], $0x800  }
0xaa: {  	[sflag:s29] =	ssyncset.done $0x0  }
0xab: {  	[sflag:s29] =	ssyncadd.s32 $0xFFFFF800  }
0xac: {  	_ =	sfence.sel $0x180000  }
0xad: {  	[bflag:$0x0] =	sbarrier.arrive $0xFFFF  }
0xae: {  	_ =	strace $0x9000004A  }
0xaf: {  	s0 =	stileid.u32;
	[bflag:$0x2] =	sbarrier.arrive $0xFFFF  }
0xb0: {  	p0 =	sne.s32 s0, $0x0;
	s0 =	rddreg [dreg:$0x4]  }
0xb1: {  	s0 =	sadd.s32 @!p0 $0x100000, s0  }
0xb2: {  	[sflag:s0] =	ssyncadd.tile.s32 @!p0 $0x1;
	_ =	shalt  }
.Lfunc_end2:
_tile_overlayer_lowered:
.L_overlay_start_2:
0xb3: {  	(tag) =	ssettag $0x2  }
0xb4: {  	s0 =	rddreg [dreg:$0x0];
	s2 =	stileid.u32  }
0xb5: {  	s1 =	rddreg [dreg:$0x1];
	p0 =	sne.s32 s2, $0x0  }
0xb6: {  	s3 =	rddreg [dreg:$0x2];
	[bflag:$0x3] =	sbarrier.arrive $0xFFFF;
	s2 =	simm.s32 @!p0 $0x1C02  }
0xb7: {  	[timem:s3], [sflag:s2] =	dma.local @!p0 [hbm:s0], s1  }
0xb8: {  	s0 =	simm.s32 @!p0 $0x2  }
0xb9: {  	_ =	swait.ge @!p0 [sflag:s0], s1  }
0xba: {  	s1 =	ssub.s32 @!p0 $0x0, s1;
	[sflag:s0] =	ssyncset.done @!p0 $0x0  }
0xbb: {  	[sflag:s0] =	ssyncadd.s32 @!p0 s1  }
0xbc: {  	[bflag:$0x3] =	sbarrier.arrive $0xFFFF  }
0xbd: {  	_ =	shalt  }

// kernel: kernel.8.cloned.1.call-start
scs
__scs_entry_jumppad:
0x0: {  	(pc) =	sbr.rel $0x88, $3  }
0x1: {  	(tag) =	ssettag $0x0;
	lr =	simm.s32 $0x1  }
0x2: {  	[smem:$0x3F9F] =	sst lr;
	_ =	strace $0xD0000000  }
0x3: {  	_ = 	snop  }
0x4: {  	_ = 	snop  }
0x5: {  	_ = 	snop  }
0x6: {  	_ = 	snop  }
0x7: {  	_ = 	snop  }
__scs_overlays_trampoline_lowered:
0x8: {  	[smem:$0x3FAE] =	sst s0  }
0x9: {  	[smem:$0x3FAF] =	sst s1  }
0xa: {  	[smem:$0x3FB0] =	sst s2  }
0xb: {  	[smem:$0x3FB1] =	sst s3  }
0xc: {  	[smem:$0x3FB2] =	sst s4  }
0xd: {  	[smem:$0x3FB3] =	sst s5  }
0xe: {  	[smem:$0x3FB4] =	sst s6  }
0xf: {  	[smem:$0x3FB5] =	sst s7  }
0x10: {  	[smem:$0x3FB6] =	sst s8  }
0x11: {  	[smem:$0x3FB7] =	sst s9;
	s0 =	simm.s32 @!p0 $0x0  }
0x12: {  	s1 =	sld [smem:$0x3F9D];
	s0 =	simm.s32 @p0 $0x1  }
0x13: {  	[smem:$0x3FB8] =	sst s0;
	s0 =	simm.s32 @!p1 $0x0  }
0x14: {  	s2 =	sld [smem:$0x3F9C];
	s0 =	simm.s32 @p1 $0x1  }
0x15: {  	[smem:$0x3FB9] =	sst s0;
	s0 =	simm.s32 @!p2 $0x0  }
0x16: {  	s3 =	sld [smem:$0x3FDB];
	s0 =	simm.s32 @p2 $0x1  }
0x17: {  	s4 =	simm.s32 $0x1BF5;
	[smem:$0x3FBB] =	sst s0  }
0x18: {  	s0 =	sld [smem:$0x3F9E];
	_ =	swait.ge [sflag:s4], $0x0  }
0x19: {  	s7 =	sld [smem:$0x3F9F]  }
0x1a: {  	s8 =	sadd.s32 $0xFFFFE003, lr  }
0x1b: {  	s9 =	sadd.s32 $0xFFFFFEF7, lr;
	s5 =	simm.s32 $0xFFFFFFFF;
	p2 =	slt.u32 s8, $0xFFFFF086  }
0x1c: {  	p1 =	slt.u32 s9, $0xF7A;
	s5 =	simm.s32 @!p2 $0x0  }
0x1d: {  	s5 =	simm.s32 @p1 $0x1;
	p0 =	seq.s32 s7, s2  }
0x1e: {  	s7 =	smul.u32 @!p0 $0xF7A, s2;
	p2 =	seq.s32 @!p0 s5, $0x0  }
0x1f: {  	s9 =	smul.u32 $0xF7A, s1;
	s8 =	simm.s32 @!p0 $0x1BF5;
	p2 =	por !p2, p0  }
0x20: {  	[sflag:s8] =	ssyncset.s32 @!p0 $0xFFFFF086;
	s6 =	sadd.s32 @!p0 s3, s7;
	s7 =	simm.s32 @!p0 $0x108  }
0x21: {  	s3 =	sadd.s32 s3, s9;
	s6 =	sadd.s32 @!p0 $0x88, s6;
	s7 =	simm.s32 @p2 $0x1082  }
0x22: {  	[simem:s7], [sflag:s8] =	dma.local @!p0 [hbm:s6], $0xF7A  }
0x23: {  	s9 =	sor.u32 $0xD0000000, s2;
	s6 =	simm.s32 $0x108;
	_ =	swait.ge @!p0 [sflag:s8], $0x0  }
0x24: {  	s3 =	sadd.s32 $0x88, s3;
	s6 =	simm.s32 @!p1 $0x1082;
	[sflag:s4] =	ssyncset.s32 $0xFFFFF086  }
0x25: {  	[simem:s6], [sflag:s4] =	dma.local [hbm:s3], $0xF7A  }
0x26: {  	[smem:$0x3F9F] =	sst s1;
	(tag) =	ssettag s2;
	_ =	strace s9  }
0x27: {  	s1 =	sld [smem:$0x3FAF]  }
0x28: {  	s2 =	sld [smem:$0x3FB0]  }
0x29: {  	s4 =	sld [smem:$0x3FB2]  }
0x2a: {  	p0 =	seq.s32 s5, $0x0;
	s5 =	sld [smem:$0x3FB3]  }
0x2b: {  	s6 =	sld [smem:$0x3FB4]  }
0x2c: {  	s7 =	sld [smem:$0x3FB5]  }
0x2d: {  	s3 =	simm.s32 $0x108;
	s8 =	sld [smem:$0x3FB6]  }
0x2e: {  	s3 =	simm.s32 @!p0 $0x1082;
	s9 =	sld [smem:$0x3FB7]  }
0x2f: {  	lr =	sadd.s32 s0, s3;
	s0 =	sld [smem:$0x3FAE]  }
0x30: {  	s3 =	sld [smem:$0x3FB1]  }
0x31: {  	[smem:$0x3FBA] =	sst s10  }
0x32: {  	s10 =	sld [smem:$0x3FB8];
	_ =	sdelay $0x3  }
0x33: {  	p0 =	seq.s32 s10, $0x1;
	s10 =	sld [smem:$0x3FBA];
	_ =	sdelay $0x3  }
0x34: {  	[smem:$0x3FBA] =	sst s10  }
0x35: {  	s10 =	sld [smem:$0x3FB9];
	_ =	sdelay $0x3  }
0x36: {  	p1 =	seq.s32 s10, $0x1;
	s10 =	sld [smem:$0x3FBA];
	_ =	sdelay $0x3  }
0x37: {  	[smem:$0x3FBA] =	sst s10  }
0x38: {  	s10 =	sld [smem:$0x3FBB]  }
0x39: {  	_ = 	snop;
	(pc) =	sbr.ind lr, $3  }
0x3a: {  	_ = 	snop  }
0x3b: {  	_ = 	snop  }
0x3c: {  	p2 =	seq.s32 s10, $0x1;
	s10 =	sld [smem:$0x3FBA]  }
0x3d: {  	_ =	shalt  }
0x3e: {  	_ =	shalt  }
0x3f: {  	_ =	shalt  }
0x40: {  	_ =	shalt  }
0x41: {  	_ =	shalt  }
0x42: {  	_ =	shalt  }
0x43: {  	_ =	shalt  }
0x44: {  	_ =	shalt  }
0x45: {  	_ =	shalt  }
0x46: {  	_ =	shalt  }
0x47: {  	_ =	shalt  }
0x48: {  	_ =	shalt  }
0x49: {  	_ =	shalt  }
0x4a: {  	_ =	shalt  }
0x4b: {  	_ =	shalt  }
0x4c: {  	_ =	shalt  }
0x4d: {  	_ =	shalt  }
0x4e: {  	_ =	shalt  }
0x4f: {  	_ =	shalt  }
0x50: {  	_ =	shalt  }
0x51: {  	_ =	shalt  }
0x52: {  	_ =	shalt  }
0x53: {  	_ =	shalt  }
0x54: {  	_ =	shalt  }
0x55: {  	_ =	shalt  }
0x56: {  	_ =	shalt  }
0x57: {  	_ =	shalt  }
0x58: {  	_ =	shalt  }
0x59: {  	_ =	shalt  }
0x5a: {  	_ =	shalt  }
0x5b: {  	_ =	shalt  }
0x5c: {  	_ =	shalt  }
0x5d: {  	_ =	shalt  }
0x5e: {  	_ =	shalt  }
0x5f: {  	_ =	shalt  }
0x60: {  	_ =	shalt  }
0x61: {  	_ =	shalt  }
0x62: {  	_ =	shalt  }
0x63: {  	_ =	shalt  }
0x64: {  	_ =	shalt  }
0x65: {  	_ =	shalt  }
0x66: {  	_ =	shalt  }
0x67: {  	_ =	shalt  }
0x68: {  	_ =	shalt  }
0x69: {  	_ =	shalt  }
0x6a: {  	_ =	shalt  }
0x6b: {  	_ =	shalt  }
0x6c: {  	_ =	shalt  }
0x6d: {  	_ =	shalt  }
0x6e: {  	_ =	shalt  }
0x6f: {  	_ =	shalt  }
0x70: {  	_ =	shalt  }
0x71: {  	_ =	shalt  }
0x72: {  	_ =	shalt  }
0x73: {  	_ =	shalt  }
0x74: {  	_ =	shalt  }
0x75: {  	_ =	shalt  }
0x76: {  	_ =	shalt  }
0x77: {  	_ =	shalt  }
0x78: {  	_ =	shalt  }
0x79: {  	_ =	shalt  }
0x7a: {  	_ =	shalt  }
0x7b: {  	_ =	shalt  }
0x7c: {  	_ =	shalt  }
0x7d: {  	_ =	shalt  }
0x7e: {  	_ =	shalt  }
0x7f: {  	_ =	shalt  }
0x80: {  	_ =	shalt  }
0x81: {  	_ =	shalt  }
0x82: {  	_ =	shalt  }
0x83: {  	_ =	shalt  }
0x84: {  	_ =	shalt  }
0x85: {  	_ =	shalt  }
0x86: {  	_ =	shalt  }
0x87: {  	_ =	shalt  }
.Lfunc_end0:
.L_simem_size_0:
called_computation_lowered:
.L_overlay_start_0:
0x88: {  	s2 =	sld [smem:$0x3FD9]  }
0x89: {  	s3 =	sld [smem:$0x3FFE];
	_ =	sdelay $0x1  }
0x8a: {  	s1 =	srdreg.scid  }
0x8b: {  	s0 =	sand.u32 $0x1, s1  }
0x8c: {  	s17 =	sshll.u32 s0, $0xA;
	s2 =	sadd.s32 s3, s2  }
0x8d: {  	s2 =	sadd.s32 s2, s17  }
0x8e: {  	[smem:$0x3FC6] =	sst s2  }
0x8f: {  	_ = 	snop  }
0x90: {  	s2 =	sld [smem:$0x3FD0];
	(tm) =	ssettm $0x1  }
0x91: {  	s18 =	sld [smem:$0x3FFB];
	_ =	sdelay $0x3  }
0x92: {  	_ =	strace s18  }
0x93: {  	s3 =	sld [smem:$0x3FFC];
	_ =	sdelay $0x3  }
0x94: {  	_ =	strace s3  }
0x95: {  	s3 =	sld [smem:$0x3FFD];
	_ =	sdelay $0x3  }
0x96: {  	_ =	strace s3  }
0x97: {  	_ =	strace $0x8FFFFFFF  }
0x98: {  	s19 =	sld [smem:$0x3FDB];
	_ =	sdelay $0x1  }
0x99: {  	s4 =	simm.s32 $_scs_section_size  }
0x9a: {  	s5 =	simm.s32 $_size__tile_overlayer_lowered;
	s6 =	simm.s32 $_tile_overlayer_lowered  }
0x9b: {  	s22 =	simm.s32 $0x1BFF;
	s21 =	sshll.u32 s6, $0x1;
	s3 =	sadd.s32 s4, s19  }
0x9c: {  	s7 =	simm.s32 $0x0;
	s20 =	sshll.u32 s5, $0x1;
	s5 =	sadd.s32 s21, s3  }
0x9d: {  	[timem:s7], [sflag:s22] =	dma.local [hbm:s5], s20  }
0x9e: {  	_ =	swait.ge [sflag:s22], s20  }
0x9f: {  	s4 =	ssub.s32 $0x0, s20;
	[sflag:s22] =	ssyncset.done $0x0  }
0xa0: {  	[sflag:s22] =	ssyncadd.s32 s4;
	_ =	sdelay $0x1  }
0xa1: {  	s23 =	simm.s32 $0x1B8B  }
0xa2: {  	_ =	swait.ge [sflag:s23], $0x1  }
0xa3: {  	[sflag:s23] =	ssyncset.done $0x0  }
0xa4: {  	s25 =	simm.s32 $0x1B8E;
	s24 =	sld [smem:$0x3FFE];
	[sflag:s23] =	ssyncadd.s32 $0xFFFFFFFF  }
0xa5: {  	s26 =	simm.s32 $execute0_lowered;
	[smem:$0x3FD2] =	sst s25  }
0xa6: {  	s5 =	sshll.u32 s26, $0x1;
	_ =	strace $0x80000046;
	[dreg:$0x1] =	wrdreg $0xFFFFFFFF  }
0xa7: {  	s28 =	simm.s32 $_size_execute0_lowered;
	s3 =	sadd.s32 s3, s5;
	[dreg:$0x0] =	wrdreg $0x0  }
0xa8: {  	s5 =	sshll.u32 s28, $0x1;
	[dreg:$0x2] =	wrdreg s3  }
0xa9: {  	[dreg:$0x3] =	wrdreg s5  }
0xaa: {  	[dreg:$0x4] =	wrdreg $0xC0  }
0xab: {  	_ =	task [dreg:s7], $0x5FFFF  }
0xac: {  	[dreg:$0x1] =	wrdreg $0xFFFFFFFF  }
0xad: {  	[dreg:$0x0] =	wrdreg $0x60  }
0xae: {  	[dreg:$0x2] =	wrdreg s2  }
0xaf: {  	[dreg:$0x3] =	wrdreg s24  }
0xb0: {  	[dreg:$0x4] =	wrdreg $0x120000  }
0xb1: {  	[dreg:$0x5] =	wrdreg $0x160000  }
0xb2: {  	[dreg:$0x6] =	wrdreg $0x1A0000  }
0xb3: {  	[dreg:$0x7] =	wrdreg $0x9  }
0xb4: {  	_ =	task.clear_ibuf [dreg:s7], $0x8FFFF;
	_ =	strace $0x90000046  }
0xb5: {  	s29 =	simm.s32 $0x9;
	_ =	strace $0x80000048  }
0xb6: {  	_ =	swait.ge [sflag:s29], $0x1  }
0xb7: {  	[sflag:s29] =	ssyncadd.s32 $0xFFFFFFFF  }
0xb8: {  	_ =	strace $0x90000048  }
0xb9: {  	_ =	sfence  }
0xba: {  	s30 =	sld [smem:$0x0];
	_ =	sdelay $0x2  }
0xbb: {  	s31 =	sshll.u32 s1, $0xD;
	s1 =	sshrl.u32 s1, $0x2  }
0xbc: {  	s3 =	sand.u32 $0x4000, s31;
	s1 =	sadd.s32 s1, s30  }
0xbd: {  	s0 =	sor.u32 s3, s0;
	s1 =	sshll.u32 s1, $0x11  }
0xbe: {  	s0 =	sor.u32 s1, s0  }
0xbf: {  	s0 =	sadd.s32 $0x8F2B, s0  }
0xc0: {  	[sflag:s0] =	ssyncadd.remote.s32 $0x1  }
0xc1: {  	_ =	sfence.sel $0xFFFF  }
0xc2: {  	[dreg:$0x0] =	wrdreg $0xFFFFFFFF;
	(pc) =	sbr.abs _section_cstart, $3  }
0xc3: {  	[dreg:$0x1] =	wrdreg $0xFFFFFFFF  }
0xc4: {  	_ =	task.clear_ibuf [dreg:s7], $0x2FFFF;
	_ =	strace $0x9FFFFFFF  }
0xc5: {  	(tm) =	ssettm $0x7FFFFFFF  }
tec
execute0_lowered:
.L_overlay_start_1:
0x0: {  	(tag) =	ssettag $0x1  }
0x1: {  	s0 =	rddreg [dreg:$0x0]  }
0x2: {  	s1 =	rddreg [dreg:$0x1]  }
0x3: {  	s11 =	rddreg [dreg:$0x2]  }
0x4: {  	s24 =	rddreg [dreg:$0x3]  }
0x5: {  	s12 =	rddreg [dreg:$0x4]  }
0x6: {  	s4 =	simm.s32 $0x0;
	s6 =	srdreg.scid;
	s13 =	stileid.u32  }
0x7: {  	s28 =	simm.s32 $0x10000;
	s29 =	simm.s32 $0x2;
	s30 =	simm.s32 $0x4000  }
0x8: {  	s31 =	simm.s32 $0x8000;
	[smem:$0x7FF] =	sst s4;
	s2 =	sadd.s32 $0x3000, s1  }
0x9: {  	s3 =	sadd.s32 $0x23000, s1;
	s5 =	sadd.s32 $0x43000, s1;
	s6 =	sand.u32 $0x1, s6  }
0xa: {  	s23 =	sshll.u32 s13, $0xE;
	s7 =	ssub.s32 $0x2, s6;
	s6 =	sshll.u32 s6, $0x13  }
0xb: {  	s8 =	sadd.s32 $0x63000, s1;
	s9 =	sadd.s32 $0x83000, s1;
	s18 =	sor.u32 s23, s6  }
0xc: {  	s1 =	sadd.s32 $0xA3000, s1;
	s10 =	sshrl.u32 s7, $0x1;
	s14 =	sshrl.u32 s18, $0x3  }
0xd: {  	_ =	strace $0x80000047;
	s26 =	ssub.s32 s7, s10;
	s10 =	sadd.s32 s0, s14  }
0xe: {  	s25 =	sor.u32 $0x2000, s23;
	s19 =	sadd.s32 s2, s14;
	[dreg:$0x6] =	wrdreg s10  }
0xf: {  	s6 =	sadd.s32 s23, s11;
	s20 =	sadd.s32 s3, s14;
	[dreg:$0x7] =	wrdreg s19  }
0x10: {  	s7 =	sadd.s32 s25, s11;
	s21 =	sadd.s32 s5, s14;
	[dreg:$0x8] =	wrdreg s20  }
0x11: {  	s22 =	sadd.s32 s8, s14;
	s13 =	sadd.s32 s9, s14;
	[dreg:$0x9] =	wrdreg s21  }
0x12: {  	s26 =	smax.u32 s26, $0x1;
	[dreg:$0xa] =	wrdreg s22;
	s21 =	sor.u32 $0x8000, s14  }
0x13: {  	s14 =	sadd.s32 s1, s14;
	s22 =	sadd.s32 s23, s24;
	s23 =	sadd.s32 s23, s12  }
0x14: {  	s24 =	sadd.s32 s25, s24;
	s25 =	sadd.s32 s25, s12;
	s15 =	sadd.s32 s0, s21  }
0x15: {  	s16 =	sadd.s32 s2, s21;
	s17 =	sadd.s32 s3, s21;
	s18 =	sadd.s32 s5, s21  }
0x16: {  	s19 =	sadd.s32 s8, s21;
	s20 =	sadd.s32 s9, s21;
	s21 =	sadd.s32 s1, s21  }
0x17: {  	v0 =	vimm.f32 $0.0e+00;
	s0 =	simm.s32 $0xC000;
	s5 =	simm.s32 $0x1;
	s1 =	simm.s32 $0x0  }
.LBB2_1:
0x18: {  	s2 =	simm.s32 $0x10020  }
0x19: {  	[tilespmem:s2+$0xFFFFFFE0] =	vst v0  }
0x1a: {  	[tilespmem:s2+$0x10] =	vst v0  }
0x1b: {  	s3 =	simm.s32 $0x0;
	[tilespmem:s2+$0x0] =	vst v0  }
.LBB2_2:
0x1c: {  	s3 =	sadd.s32 $0x4, s3  }
0x1d: {  	[tilespmem:s2+$0xFFFFFFF0] =	vst v0;
	s2 =	sadd.s32 $0x40, s2;
	p0 =	slt.u32 s3, $0x1FC  }
.Ltmp0:
0x1e: {  	[tilespmem:s2+$0xFFFFFFE0] =	vst v0;
	(pc) =	sbr.rel @p0 .LBB2_2-.Ltmp0, $3  }
0x1f: {  	_ =	sdelay $0x1  }
0x20: {  	[tilespmem:s2+$0x10] =	vst v0  }
0x21: {  	[tilespmem:s2+$0x0] =	vst v0  }
0x22: {  	[tilespmem:s2+$0xFFFFFFF0] =	vst v0  }
0x23: {  	[spmem:s6] =	stream.linear.scatter [tilespmem:s28], [sflag:$0x2], $0x2000, $0x38;
	[tilespmem:$0x1E000] =	vst v63  }
0x24: {  	_ =	swait.ge [sflag:s29], $0x2000  }
0x25: {  	[sflag:s29] =	ssyncset.done $0x0  }
0x26: {  	[sflag:s29] =	ssyncadd.s32 $0xFFFFE000  }
0x27: {  	[spmem:s7] =	stream.linear.scatter [tilespmem:s28], [sflag:$0x2], $0x2000, $0x38;
	[tilespmem:$0x1E000] =	vst v63  }
0x28: {  	_ =	swait.ge [sflag:s29], $0x2000  }
0x29: {  	[sflag:s29] =	ssyncset.done $0x0  }
0x2a: {  	[sflag:s29] =	ssyncadd.s32 $0xFFFFE000  }
0x2b: {  	[spmem:s22] =	stream.linear.scatter [tilespmem:s28], [sflag:$0x2], $0x2000, $0x38;
	[tilespmem:$0x1E000] =	vst v63  }
0x2c: {  	_ =	swait.ge [sflag:s29], $0x2000  }
0x2d: {  	[sflag:s29] =	ssyncset.done $0x0  }
0x2e: {  	[sflag:s29] =	ssyncadd.s32 $0xFFFFE000  }
0x2f: {  	[spmem:s24] =	stream.linear.scatter [tilespmem:s28], [sflag:$0x2], $0x2000, $0x38;
	[tilespmem:$0x1E000] =	vst v63  }
0x30: {  	_ =	swait.ge [sflag:s29], $0x2000  }
0x31: {  	[sflag:s29] =	ssyncset.done $0x0  }
0x32: {  	[sflag:s29] =	ssyncadd.s32 $0xFFFFE000  }
0x33: {  	[spmem:s23] =	stream.linear.scatter [tilespmem:s28], [sflag:$0x2], $0x2000, $0x38;
	[tilespmem:$0x1E000] =	vst v63  }
0x34: {  	_ =	swait.ge [sflag:s29], $0x2000  }
0x35: {  	[sflag:s29] =	ssyncset.done $0x0  }
0x36: {  	[sflag:s29] =	ssyncadd.s32 $0xFFFFE000  }
0x37: {  	[spmem:s25] =	stream.linear.scatter [tilespmem:s28], [sflag:$0x2], $0x2000, $0x38;
	[tilespmem:$0x1E000] =	vst v63  }
0x38: {  	_ =	swait.ge [sflag:s29], $0x2000  }
0x39: {  	[sflag:s29] =	ssyncset.done $0x0  }
0x3a: {  	s11 =	rddreg [dreg:$0x6];
	[sflag:s29] =	ssyncadd.s32 $0xFFFFE000  }
0x3b: {  	[tilespmem:s4], [sflag:$0x2] =	stream.linear.gather [hbm4b:s11+s4], $0x4000, $0x38;
	[tilespmem:$0x1E000] =	vst v63  }
0x3c: {  	_ =	swait.ge [sflag:s29], $0x4000  }
0x3d: {  	[sflag:s29] =	ssyncset.done $0x0  }
0x3e: {  	s12 =	rddreg [dreg:$0x7];
	[sflag:s29] =	ssyncadd.s32 $0xFFFFC000  }
0x3f: {  	[tilespmem:s30], [sflag:$0x2] =	stream.linear.gather [hbm4b:s12+s4], $0x4000, $0x38;
	[tilespmem:$0x1E000] =	vst v63  }
0x40: {  	_ =	swait.ge [sflag:s29], $0x4000  }
0x41: {  	[sflag:s29] =	ssyncset.done $0x0  }
0x42: {  	s3 =	rddreg [dreg:$0x8];
	[sflag:s29] =	ssyncadd.s32 $0xFFFFC000  }
0x43: {  	[tilespmem:s31], [sflag:$0x2] =	stream.linear.gather [hbm4b:s3+s4], $0x4000, $0x38;
	[tilespmem:$0x1E000] =	vst v63  }
0x44: {  	_ =	swait.ge [sflag:s29], $0x4000  }
0x45: {  	[sflag:s29] =	ssyncset.done $0x0  }
0x46: {  	s8 =	rddreg [dreg:$0x9];
	[sflag:s29] =	ssyncadd.s32 $0xFFFFC000  }
0x47: {  	[tilespmem:s0], [sflag:$0x2] =	stream.linear.gather [hbm4b:s8+s4], $0x4000, $0x38;
	[tilespmem:$0x1E000] =	vst v63  }
0x48: {  	_ =	swait.ge [sflag:s29], $0x4000  }
0x49: {  	[sflag:s29] =	ssyncset.done $0x0  }
0x4a: {  	[sflag:s29] =	ssyncadd.s32 $0xFFFFC000  }
0x4b: {  	[bflag:$0x0] =	sbarrier.arrive $0xFFFF  }
0x4c: {  	s10 =	rddreg [dreg:$0x2]  }
0x4d: {  	[spmem:s10] =	stream.indirect.scatter.add.f32 [tilespmem:s30], [sflag:$0x1], $0x1, s4, s30, $0xb8;
	[tilespmem:$0x1E000] =	vst v63  }
0x4e: {  	s11 =	rddreg [dreg:$0x3]  }
0x4f: {  	[spmem:s11] =	stream.indirect.scatter.add.f32 [tilespmem:s31], [sflag:$0x1], $0x1, s4, s30, $0xb8;
	[tilespmem:$0x1E000] =	vst v63  }
0x50: {  	s12 =	rddreg [dreg:$0x4]  }
0x51: {  	[spmem:s12] =	stream.indirect.scatter.add.f32 [tilespmem:s0], [sflag:$0x1], $0x1, s4, s30, $0xb8;
	[tilespmem:$0x1E000] =	vst v63  }
0x52: {  	_ =	swait.ge [sflag:s5], $0x4000  }
0x53: {  	[sflag:s5] =	ssyncset.done $0x0  }
0x54: {  	[sflag:s5] =	ssyncadd.s32 $0xFFFFC000  }
0x55: {  	_ =	swait.ge [sflag:s5], $0x4000  }
0x56: {  	[sflag:s5] =	ssyncset.done $0x0  }
0x57: {  	[sflag:s5] =	ssyncadd.s32 $0xFFFFC000  }
0x58: {  	_ =	swait.ge [sflag:s5], $0x4000  }
0x59: {  	[sflag:s5] =	ssyncset.done $0x0  }
0x5a: {  	s9 =	stileid.u32;
	[sflag:s5] =	ssyncadd.s32 $0xFFFFC000  }
0x5b: {  	s2 =	sshll.u32 s9, $0x6;
	[bflag:$0x0] =	sbarrier.arrive $0xFFFF  }
0x5c: {  	s2 =	sor.u32 $0x1C02, s2;
	s3 =	sshrl.u32 s6, $0x3;
	s8 =	rddreg [dreg:$0xa]  }
0x5d: {  	[hbm:s8], [sflag:s2] =	dma.local [spmem:s3], $0x800  }
0x5e: {  	_ =	swait.ge [sflag:s29], $0x800  }
0x5f: {  	[sflag:s29] =	ssyncset.done $0x0  }
0x60: {  	s8 =	sshrl.u32 s22, $0x3;
	[sflag:s29] =	ssyncadd.s32 $0xFFFFF800  }
0x61: {  	[hbm:s13], [sflag:s2] =	dma.local [spmem:s8], $0x800  }
0x62: {  	_ =	swait.ge [sflag:s29], $0x800  }
0x63: {  	[sflag:s29] =	ssyncset.done $0x0  }
0x64: {  	s9 =	sshrl.u32 s23, $0x3;
	[sflag:s29] =	ssyncadd.s32 $0xFFFFF800  }
0x65: {  	[hbm:s14], [sflag:s2] =	dma.local [spmem:s9], $0x800  }
0x66: {  	_ =	swait.ge [sflag:s29], $0x800  }
0x67: {  	[sflag:s29] =	ssyncset.done $0x0  }
0x68: {  	[sflag:s29] =	ssyncadd.s32 $0xFFFFF800  }
0x69: {  	[spmem:s6] =	stream.linear.scatter [tilespmem:s28], [sflag:$0x2], $0x2000, $0x38;
	[tilespmem:$0x1E000] =	vst v63  }
0x6a: {  	_ =	swait.ge [sflag:s29], $0x2000  }
0x6b: {  	[sflag:s29] =	ssyncset.done $0x0  }
0x6c: {  	[sflag:s29] =	ssyncadd.s32 $0xFFFFE000  }
0x6d: {  	[spmem:s7] =	stream.linear.scatter [tilespmem:s28], [sflag:$0x2], $0x2000, $0x38;
	[tilespmem:$0x1E000] =	vst v63  }
0x6e: {  	_ =	swait.ge [sflag:s29], $0x2000  }
0x6f: {  	[sflag:s29] =	ssyncset.done $0x0  }
0x70: {  	[sflag:s29] =	ssyncadd.s32 $0xFFFFE000  }
0x71: {  	[spmem:s22] =	stream.linear.scatter [tilespmem:s28], [sflag:$0x2], $0x2000, $0x38;
	[tilespmem:$0x1E000] =	vst v63  }
0x72: {  	_ =	swait.ge [sflag:s29], $0x2000  }
0x73: {  	[sflag:s29] =	ssyncset.done $0x0  }
0x74: {  	[sflag:s29] =	ssyncadd.s32 $0xFFFFE000  }
0x75: {  	[spmem:s24] =	stream.linear.scatter [tilespmem:s28], [sflag:$0x2], $0x2000, $0x38;
	[tilespmem:$0x1E000] =	vst v63  }
0x76: {  	_ =	swait.ge [sflag:s29], $0x2000  }
0x77: {  	[sflag:s29] =	ssyncset.done $0x0  }
0x78: {  	[sflag:s29] =	ssyncadd.s32 $0xFFFFE000  }
0x79: {  	[spmem:s23] =	stream.linear.scatter [tilespmem:s28], [sflag:$0x2], $0x2000, $0x38;
	[tilespmem:$0x1E000] =	vst v63  }
0x7a: {  	_ =	swait.ge [sflag:s29], $0x2000  }
0x7b: {  	[sflag:s29] =	ssyncset.done $0x0  }
0x7c: {  	[sflag:s29] =	ssyncadd.s32 $0xFFFFE000  }
0x7d: {  	[spmem:s25] =	stream.linear.scatter [tilespmem:s28], [sflag:$0x2], $0x2000, $0x38;
	[tilespmem:$0x1E000] =	vst v63  }
0x7e: {  	_ =	swait.ge [sflag:s29], $0x2000  }
0x7f: {  	[sflag:s29] =	ssyncset.done $0x0  }
0x80: {  	[sflag:s29] =	ssyncadd.s32 $0xFFFFE000  }
0x81: {  	[tilespmem:s4], [sflag:$0x2] =	stream.linear.gather [hbm4b:s15+s4], $0x4000, $0x38;
	[tilespmem:$0x1E000] =	vst v63  }
0x82: {  	_ =	swait.ge [sflag:s29], $0x4000  }
0x83: {  	[sflag:s29] =	ssyncset.done $0x0  }
0x84: {  	[sflag:s29] =	ssyncadd.s32 $0xFFFFC000  }
0x85: {  	[tilespmem:s30], [sflag:$0x2] =	stream.linear.gather [hbm4b:s16+s4], $0x4000, $0x38;
	[tilespmem:$0x1E000] =	vst v63  }
0x86: {  	_ =	swait.ge [sflag:s29], $0x4000  }
0x87: {  	[sflag:s29] =	ssyncset.done $0x0  }
0x88: {  	[sflag:s29] =	ssyncadd.s32 $0xFFFFC000  }
0x89: {  	[tilespmem:s31], [sflag:$0x2] =	stream.linear.gather [hbm4b:s17+s4], $0x4000, $0x38;
	[tilespmem:$0x1E000] =	vst v63  }
0x8a: {  	_ =	swait.ge [sflag:s29], $0x4000  }
0x8b: {  	[sflag:s29] =	ssyncset.done $0x0  }
0x8c: {  	[sflag:s29] =	ssyncadd.s32 $0xFFFFC000  }
0x8d: {  	[tilespmem:s0], [sflag:$0x2] =	stream.linear.gather [hbm4b:s18+s4], $0x4000, $0x38;
	[tilespmem:$0x1E000] =	vst v63  }
0x8e: {  	_ =	swait.ge [sflag:s29], $0x4000  }
0x8f: {  	[sflag:s29] =	ssyncset.done $0x0  }
0x90: {  	[sflag:s29] =	ssyncadd.s32 $0xFFFFC000  }
0x91: {  	[bflag:$0x0] =	sbarrier.arrive $0xFFFF  }
0x92: {  	[spmem:s10] =	stream.indirect.scatter.add.f32 [tilespmem:s30], [sflag:$0x1], $0x1, s4, s30, $0xb8;
	[tilespmem:$0x1E000] =	vst v63  }
0x93: {  	_ = 	snop  }
0x94: {  	[spmem:s11] =	stream.indirect.scatter.add.f32 [tilespmem:s31], [sflag:$0x1], $0x1, s4, s30, $0xb8;
	[tilespmem:$0x1E000] =	vst v63  }
0x95: {  	_ = 	snop  }
0x96: {  	[spmem:s12] =	stream.indirect.scatter.add.f32 [tilespmem:s0], [sflag:$0x1], $0x1, s4, s30, $0xb8;
	[tilespmem:$0x1E000] =	vst v63  }
0x97: {  	_ =	swait.ge [sflag:s5], $0x4000  }
0x98: {  	[sflag:s5] =	ssyncset.done $0x0  }
0x99: {  	[sflag:s5] =	ssyncadd.s32 $0xFFFFC000  }
0x9a: {  	_ =	swait.ge [sflag:s5], $0x4000  }
0x9b: {  	[sflag:s5] =	ssyncset.done $0x0  }
0x9c: {  	[sflag:s5] =	ssyncadd.s32 $0xFFFFC000  }
0x9d: {  	_ =	swait.ge [sflag:s5], $0x4000  }
0x9e: {  	[sflag:s5] =	ssyncset.done $0x0  }
0x9f: {  	[sflag:s5] =	ssyncadd.s32 $0xFFFFC000  }
0xa0: {  	[bflag:$0x0] =	sbarrier.arrive $0xFFFF  }
0xa1: {  	[hbm:s19], [sflag:s2] =	dma.local [spmem:s3], $0x800  }
0xa2: {  	_ =	swait.ge [sflag:s29], $0x800  }
0xa3: {  	[sflag:s29] =	ssyncset.done $0x0  }
0xa4: {  	[sflag:s29] =	ssyncadd.s32 $0xFFFFF800  }
0xa5: {  	[hbm:s20], [sflag:s2] =	dma.local [spmem:s8], $0x800  }
0xa6: {  	s1 =	sadd.s32 $0x1, s1;
	_ =	swait.ge [sflag:s29], $0x800  }
0xa7: {  	p0 =	sne.s32 s1, s26;
	[sflag:s29] =	ssyncset.done $0x0  }
.Ltmp1:
0xa8: {  	[sflag:s29] =	ssyncadd.s32 $0xFFFFF800;
	(pc) =	sbr.rel @p0 .LBB2_1-.Ltmp1, $4  }
0xa9: {  	[hbm:s21], [sflag:s2] =	dma.local [spmem:s9], $0x800  }
0xaa: {  	_ =	swait.ge [sflag:s29], $0x800  }
0xab: {  	[sflag:s29] =	ssyncset.done $0x0  }
0xac: {  	[sflag:s29] =	ssyncadd.s32 $0xFFFFF800  }
0xad: {  	_ =	sfence.sel $0x180000  }
0xae: {  	[bflag:$0x0] =	sbarrier.arrive $0xFFFF  }
0xaf: {  	_ =	strace $0x90000047  }
0xb0: {  	s0 =	stileid.u32;
	[bflag:$0x2] =	sbarrier.arrive $0xFFFF  }
0xb1: {  	p0 =	sne.s32 s0, $0x0;
	s0 =	rddreg [dreg:$0x5]  }
0xb2: {  	s0 =	sadd.s32 @!p0 $0x100000, s0  }
0xb3: {  	[sflag:s0] =	ssyncadd.tile.s32 @!p0 $0x1;
	_ =	shalt  }
.Lfunc_end2:
_tile_overlayer_lowered:
.L_overlay_start_2:
0xb4: {  	(tag) =	ssettag $0x2  }
0xb5: {  	s0 =	rddreg [dreg:$0x0];
	s2 =	stileid.u32  }
0xb6: {  	s1 =	rddreg [dreg:$0x1];
	p0 =	sne.s32 s2, $0x0  }
0xb7: {  	s3 =	rddreg [dreg:$0x2];
	[bflag:$0x3] =	sbarrier.arrive $0xFFFF;
	s2 =	simm.s32 @!p0 $0x1C02  }
0xb8: {  	[timem:s3], [sflag:s2] =	dma.local @!p0 [hbm:s0], s1  }
0xb9: {  	s0 =	simm.s32 @!p0 $0x2  }
0xba: {  	_ =	swait.ge @!p0 [sflag:s0], s1  }
0xbb: {  	s1 =	ssub.s32 @!p0 $0x0, s1;
	[sflag:s0] =	ssyncset.done @!p0 $0x0  }
0xbc: {  	[sflag:s0] =	ssyncadd.s32 @!p0 s1  }
0xbd: {  	[bflag:$0x3] =	sbarrier.arrive $0xFFFF  }
0xbe: {  	_ =	shalt  }

</sc_bundles>
